<compile_context>
chip_gen: v7x
topology: tpu7x:2x2x1
jax: 0.10.2.dev20260603
libtpu: 0.0.44.dev20260713+nightly
codegen_flags: <defaults>
</compile_context>

<pallas_src>
import functools

import jax
import jax.numpy as jnp
from jax import lax
from jax.experimental import pallas as pl
from jax.experimental.pallas import tpu as pltpu
from jax.experimental.pallas import tpu_sc as plsc

_KMAX = 0.2
_KMIN = 0.2
_ALPHA = 0.7
_INT_MIN = -2147483648
_L = 16


def _pos_k(k, n):
    if k <= 0:
        return 0
    elif k < 1:
        return int(round(k * n))
    elif k > n:
        return int(n)
    return int(k)


def _key_fwd(i):
    return jnp.where(i >= 0, i, i ^ jnp.int32(0x7FFFFFFF))


def _make_sc_kernel(num_rows, n, k, alpha):
    nw = 32
    rows_w = num_rows // nw
    chunk = _L
    nchunks = rows_w // chunk
    nv = n // _L
    kk = jnp.int32(k)
    imin = jnp.int32(_INT_MIN)

    def body(in_hbm, out_hbm, xbuf, kbuf, obuf):
        wid = lax.axis_index("s") * 2 + lax.axis_index("c")
        base = wid * rows_w

        def chunk_loop(ci, carry):
            row0 = base + ci * chunk
            pltpu.sync_copy(in_hbm.at[pl.ds(row0, chunk)], xbuf)

            def key_loop(j, carry):
                rr = j // nv
                ee = (j % nv) * _L
                iv = lax.bitcast_convert_type(xbuf[rr, pl.ds(ee, _L)],
                                              jnp.int32)
                kbuf[rr, pl.ds(ee, _L)] = _key_fwd(iv)
                return carry

            lax.fori_loop(0, chunk * nv, key_loop, 0)

            def splat_total(v):
                lanes = lax.broadcasted_iota(jnp.int32, (_L,), 0)
                dnums = lax.GatherDimensionNumbers(
                    offset_dims=(), collapsed_slice_dims=(0,),
                    start_index_map=(0,))
                for j in (1, 2, 4, 8):
                    idx = (lanes ^ j).reshape(_L, 1)
                    v = v + lax.gather(
                        v, idx, dnums, slice_sizes=(1,),
                        mode=lax.GatherScatterMode.PROMISE_IN_BOUNDS)
                return v

            def row_loop(rr, carry):
                def count_pass(vc_hi, vd_lo):
                    def scan(e, acc):
                        ah, al = acc
                        kv = kbuf[rr, pl.ds(e * _L, _L)]
                        ah = ah + jnp.where(kv >= vc_hi, 1, 0)
                        al = al + jnp.where(kv <= vd_lo, 1, 0)
                        return ah, al

                    z = jnp.zeros((_L,), jnp.int32)
                    ah, al = lax.fori_loop(0, nv, scan, (z, z))
                    return splat_total(ah), splat_total(al)

                zv = jnp.zeros((_L,), jnp.int32)
                kkv = jnp.full((_L,), kk, jnp.int32)
                iminv = jnp.full((_L,), imin, jnp.int32)
                cnt0h, cnt0l = count_pass(zv, ~zv)
                ph0 = jnp.where(cnt0h >= kkv, zv, iminv)
                pl0 = jnp.where(cnt0l >= kkv, zv, iminv)

                def bit_step(t, carry2):
                    ph, plo = carry2
                    bitv = jnp.full(
                        (_L,),
                        lax.shift_left(jnp.int32(1), jnp.int32(30) - t),
                        jnp.int32)
                    ch = ph + bitv
                    cl = plo + bitv
                    ch_cnt, cl_cnt = count_pass(ch, ~cl)
                    ph = jnp.where(ch_cnt >= kkv, ch, ph)
                    plo = jnp.where(cl_cnt >= kkv, cl, plo)
                    return ph, plo

                ph, plo = lax.fori_loop(0, 31, bit_step, (ph0, pl0))

                vth = lax.bitcast_convert_type(_key_fwd(ph), jnp.float32)
                vtl = lax.bitcast_convert_type(_key_fwd(~plo), jnp.float32)

                def relu_scan(e, acc):
                    st, sb = acc
                    xv = xbuf[rr, pl.ds(e * _L, _L)]
                    st = st + jnp.maximum(xv - vth, jnp.float32(0.0))
                    sb = sb + jnp.maximum(vtl - xv, jnp.float32(0.0))
                    return st, sb

                zf = jnp.zeros((_L,), jnp.float32)
                st, sb = lax.fori_loop(0, nv, relu_scan, (zf, zf))
                kf = jnp.float32(k)
                s_top = kf * vth + splat_total(st)
                s_bot = kf * vtl - splat_total(sb)
                val = (s_top + jnp.float32(alpha) * s_bot) * jnp.float32(
                    1.0 / (2.0 * k))
                lanes = lax.broadcasted_iota(jnp.int32, (_L,), 0)
                return jnp.where(lanes == rr, val, carry)

            vres = lax.fori_loop(0, chunk, row_loop,
                                 jnp.zeros((_L,), jnp.float32))
            obuf[pl.ds(ci * chunk, _L)] = vres
            return carry

        lax.fori_loop(0, nchunks, chunk_loop, 0)
        pltpu.sync_copy(obuf, out_hbm.at[pl.ds(base, rows_w)])

    return functools.partial(
        pl.kernel,
        out_type=jax.ShapeDtypeStruct((num_rows,), jnp.float32),
        mesh=plsc.VectorSubcoreMesh(core_axis_name="c", subcore_axis_name="s"),
        scratch_types=[
            pltpu.VMEM((chunk, n), jnp.float32),
            pltpu.VMEM((chunk, n), jnp.int32),
            pltpu.VMEM((rows_w,), jnp.float32),
        ],
    )(body)


def _tc_body(k, alpha, x_ref, o_ref):
    x = x_ref[...]
    xt = x.T
    ikey = _key_fwd(jax.lax.bitcast_convert_type(xt, jnp.int32))
    kk = jnp.int32(k)
    r = x.shape[0]
    imin = jnp.int32(_INT_MIN)

    def counts(c_hi, c_lo):
        v = (jnp.where(ikey >= c_hi, 1, 0)
             + jnp.where(ikey <= ~c_lo, 65536, 0))
        s = jnp.sum(v, axis=0, keepdims=True)
        return s & jnp.int32(0xFFFF), jax.lax.shift_right_logical(
            s, jnp.int32(16))

    zero = jnp.zeros((1, r), jnp.int32)
    cnt0_hi, cnt0_lo = counts(zero, zero)
    init_hi = jnp.where(cnt0_hi >= kk, jnp.int32(0), imin)
    init_lo = jnp.where(cnt0_lo >= kk, jnp.int32(0), imin)

    def bit_body(t, carry):
        p_hi, p_lo = carry
        bit = jax.lax.shift_left(jnp.int32(1), jnp.int32(30) - t)
        c_hi = p_hi + bit
        c_lo = p_lo + bit
        cnt_hi, cnt_lo = counts(c_hi, c_lo)
        p_hi = jnp.where(cnt_hi >= kk, c_hi, p_hi)
        p_lo = jnp.where(cnt_lo >= kk, c_lo, p_lo)
        return p_hi, p_lo

    p_hi, p_lo = jax.lax.fori_loop(0, 31, bit_body, (init_hi, init_lo))

    def key_to_f32(kv):
        return jax.lax.bitcast_convert_type(_key_fwd(kv), jnp.float32)

    t_hi = key_to_f32(p_hi)
    t_lo = key_to_f32(~p_lo)
    kf = jnp.float32(k)
    s_top = kf * t_hi + jnp.sum(jnp.maximum(xt - t_hi, 0.0), axis=0,
                                keepdims=True)
    s_bot = kf * t_lo - jnp.sum(jnp.maximum(t_lo - xt, 0.0), axis=0,
                                keepdims=True)
    out = (s_top + jnp.float32(alpha) * s_bot) * jnp.float32(1.0 / (2.0 * k))
    o_ref[...] = out.reshape(1, 1, r)


def _tc_call(flat, row0, k, alpha):
    num_rows = flat.shape[0] - row0
    n = flat.shape[1]
    r = 256
    assert num_rows % r == 0 and row0 % r == 0
    off = row0 // r
    out = pl.pallas_call(
        functools.partial(_tc_body, k, alpha),
        grid=(num_rows // r,),
        in_specs=[pl.BlockSpec((r, n), lambda i: (i + off, 0))],
        out_specs=pl.BlockSpec((1, 1, r), lambda i: (i, 0, 0)),
        out_shape=jax.ShapeDtypeStruct((num_rows // r, 1, r), jnp.float32),
    )(flat)
    return out.reshape(num_rows)


_SC_ROWS = 6144


def kernel(input):
    b, c, h, w = input.shape
    n = h * w
    kmax = _pos_k(_KMAX, n)
    num_rows = b * c
    flat = input.reshape(num_rows, n)
    out_sc = _make_sc_kernel(_SC_ROWS, n, kmax, _ALPHA)(flat[:_SC_ROWS])
    out_tc = _tc_call(flat[_SC_ROWS:], 0, kmax, _ALPHA)
    return jnp.concatenate([out_sc, out_tc]).reshape(b, c)

# --- scband reference (transcript-rebuilt; emitter-appended) ---
"""Pipeline reference for scband-wildcat-pool2d-7937099563299 (READ-ONLY COPY).

The authoritative reference and input builder live on the scoring server;
editing this copy changes nothing except your own understanding.
"""

import jax, jax.numpy as jnp
import numpy as np

KMAX = 0.2
KMIN = 0.2
ALPHA = 0.7


def _get_positive_k(k, n):
    if k <= 0:
        return 0
    elif k < 1:
        return int(round(k * n))
    elif k > n:
        return int(n)
    else:
        return int(k)


def setup_inputs(seed: int = 0) -> dict:
    key = jax.random.key(seed)
    x = jax.random.normal(key, (64, 768, 32, 32), dtype=jnp.float32)
    return {"input": x}


def reference(input) -> jnp.ndarray:
    batch_size, num_channels, h, w = input.shape
    n = h * w
    kmax = _get_positive_k(KMAX, n)
    kmin = _get_positive_k(KMIN, n)
    flat = input.reshape(batch_size, num_channels, n)
    # sort descending along spatial dim
    sorted_desc = jnp.flip(jnp.sort(flat, axis=2), axis=2)
    output = jnp.sum(sorted_desc[:, :, :kmax], axis=2) / kmax
    if kmin > 0 and ALPHA != 0:
        min_part = jnp.sum(sorted_desc[:, :, n - kmin:], axis=2) * (ALPHA / kmin)
        output = (output + min_part) / 2.0
    return output.reshape(batch_size, num_channels)

if __name__ == "__main__":
    import jax
    _d = setup_inputs()
    print(jax.jit(kernel)(*tuple(_d.values())))

</pallas_src>

<mosaic_0001>
#map = affine_map<(d0, d1) -> (0, 0)>
#map1 = affine_map<(d0, d1) -> (0)>
module attributes {stable_mosaic.version = 14 : i64} {
  func.func @_rewritten_body(%arg0: i32, %arg1: i32, %arg2: memref<6144x1024xf32, #tpu.memory_space<hbm>>, %arg3: memref<1xi32, #tpu.memory_space<hbm>>, %arg4: memref<1xi32, #tpu.memory_space<hbm>>, %arg5: memref<6144xf32, #tpu.memory_space<hbm>>, %arg6: memref<16x1024xf32, #tpu.memory_space<vmem>>, %arg7: memref<16x1024xi32, #tpu.memory_space<vmem>>, %arg8: memref<192xf32, #tpu.memory_space<vmem>>) attributes {dimension_semantics = [#tpu.dimension_semantics<core_parallel>, #tpu.dimension_semantics<subcore_parallel>], iteration_bounds = array<i64: 2, 16>, scalar_prefetch = 0 : i64, scratch_operands = 3 : i64, tpu.core_type = #tpu.core_type<sc_vector_subcore>, window_params = [{transform_indices = #map}, {transform_indices = #map1}, {transform_indices = #map1}, {transform_indices = #map1}]} {
    %empty_ref3A = memref.alloca() : memref<16xi32, #tpu.memory_space<vmem>>
    %empty_ref3A_0 = memref.alloca() : memref<16xi32, #tpu.memory_space<vmem>>
    "tpu.region"() ({
      %run_scoped3A = tpu.sem_alloc : memref<!tpu.dma_semaphore, #tpu.memory_space<semaphore_mem>>
      %dma_start3A = arith.constant 0 : i32
      %dma_start3A_16 = tpu.memref_slice %empty_ref3A[%dma_start3A] : memref<16xi32, #tpu.memory_space<vmem>> -> memref<1xi32, #tpu.memory_space<vmem>>
      %dma_start3A_17 = arith.constant 0 : i32
      %dma_start3A_18 = tpu.memref_slice %empty_ref3A[%dma_start3A_17] : memref<16xi32, #tpu.memory_space<vmem>> -> memref<1xi32, #tpu.memory_space<vmem>>
      tpu.enqueue_dma source(%arg3 : memref<1xi32, #tpu.memory_space<hbm>>) target(%dma_start3A_18 : memref<1xi32, #tpu.memory_space<vmem>>) target_semaphore(%run_scoped3A : memref<!tpu.dma_semaphore, #tpu.memory_space<semaphore_mem>>)
      %dma_start3A_19 = arith.constant 0 : i32
      %dma_start3A_20 = tpu.memref_slice %empty_ref3A_0[%dma_start3A_19] : memref<16xi32, #tpu.memory_space<vmem>> -> memref<1xi32, #tpu.memory_space<vmem>>
      %dma_start3A_21 = arith.constant 0 : i32
      %dma_start3A_22 = tpu.memref_slice %empty_ref3A_0[%dma_start3A_21] : memref<16xi32, #tpu.memory_space<vmem>> -> memref<1xi32, #tpu.memory_space<vmem>>
      tpu.enqueue_dma source(%arg4 : memref<1xi32, #tpu.memory_space<hbm>>) target(%dma_start3A_22 : memref<1xi32, #tpu.memory_space<vmem>>) target_semaphore(%run_scoped3A : memref<!tpu.dma_semaphore, #tpu.memory_space<semaphore_mem>>)
      %dma_wait3A = arith.constant 0 : i32
      %dma_wait3A_23 = tpu.memref_slice %empty_ref3A[%dma_wait3A] : memref<16xi32, #tpu.memory_space<vmem>> -> memref<1xi32, #tpu.memory_space<vmem>>
      %dma_wait3A_24 = arith.constant 0 : i32
      %dma_wait3A_25 = tpu.memref_slice %empty_ref3A[%dma_wait3A_24] : memref<16xi32, #tpu.memory_space<vmem>> -> memref<1xi32, #tpu.memory_space<vmem>>
      tpu.wait_dma2 semaphore(%run_scoped3A : memref<!tpu.dma_semaphore, #tpu.memory_space<semaphore_mem>>) src(%arg3 : memref<1xi32, #tpu.memory_space<hbm>>) dst(%dma_wait3A_25 : memref<1xi32, #tpu.memory_space<vmem>>)
      %dma_wait3A_26 = arith.constant 0 : i32
      %dma_wait3A_27 = tpu.memref_slice %empty_ref3A_0[%dma_wait3A_26] : memref<16xi32, #tpu.memory_space<vmem>> -> memref<1xi32, #tpu.memory_space<vmem>>
      %dma_wait3A_28 = arith.constant 0 : i32
      %dma_wait3A_29 = tpu.memref_slice %empty_ref3A_0[%dma_wait3A_28] : memref<16xi32, #tpu.memory_space<vmem>> -> memref<1xi32, #tpu.memory_space<vmem>>
      tpu.wait_dma2 semaphore(%run_scoped3A : memref<!tpu.dma_semaphore, #tpu.memory_space<semaphore_mem>>) src(%arg4 : memref<1xi32, #tpu.memory_space<hbm>>) dst(%dma_wait3A_29 : memref<1xi32, #tpu.memory_space<vmem>>)
      tpu.yield
    }) : () -> ()
    %get3A = arith.constant 0 : index
    %get3A_1 = tpu.vector_load %empty_ref3A[%get3A] {strides = array<i32>} : memref<16xi32, #tpu.memory_space<vmem>>, vector<16xi32>,
    %get3A_2 = vector.shape_cast %get3A_1 : vector<16xi32> to vector<16xi32>
    %slice3A = vector.extract_strided_slice %get3A_2 {offsets = [0], sizes = [1], strides = [1]} : vector<16xi32> to vector<1xi32>
    %squeeze3A = vector.extract %slice3A[0] : i32 from vector<1xi32>
    %get3A_3 = arith.constant 0 : index
    %get3A_4 = tpu.vector_load %empty_ref3A_0[%get3A_3] {strides = array<i32>} : memref<16xi32, #tpu.memory_space<vmem>>, vector<16xi32>,
    %get3A_5 = vector.shape_cast %get3A_4 : vector<16xi32> to vector<16xi32>
    %slice3A_6 = vector.extract_strided_slice %get3A_5 {offsets = [0], sizes = [1], strides = [1]} : vector<16xi32> to vector<1xi32>
    %squeeze3A_7 = vector.extract %slice3A_6[0] : i32 from vector<1xi32>
    %mul3A = arith.constant 2 : i32
    %mul3A_8 = arith.muli %arg1, %mul3A : i32
    %add3A = arith.addi %mul3A_8, %arg0 : i32
    %mul3A_9 = arith.constant 192 : i32
    %mul3A_10 = arith.muli %add3A, %mul3A_9 : i32
    %scan3A = arith.constant 0 : i32
    %scan3A_11 = arith.constant 0 : i32
    %scan3A_12 = arith.constant 12 : i32
    %scan3A_13 = arith.addi %scan3A_11, %scan3A_12 : i32
    %scan3A_14 = arith.constant 1 : i32
    scf.for %scan3A_16 = %scan3A_11 to %scan3A_13 step %scan3A_14  : i32 {
      %mul3A_17 = arith.constant 16 : i32
      %mul3A_18 = arith.muli %scan3A_16, %mul3A_17 : i32
      %add3A_19 = arith.addi %mul3A_10, %mul3A_18 : i32
      "tpu.region"() ({
        %run_scoped3A = tpu.sem_alloc : memref<!tpu.dma_semaphore, #tpu.memory_space<semaphore_mem>>
        %dma_start3A = arith.constant 0 : i32
        %dma_start3A_38 = tpu.memref_slice %arg2[%add3A_19, %dma_start3A] : memref<6144x1024xf32, #tpu.memory_space<hbm>> -> memref<16x1024xf32, #tpu.memory_space<hbm>>
        %dma_start3A_39 = arith.constant 0 : i32
        %dma_start3A_40 = tpu.memref_slice %arg2[%add3A_19, %dma_start3A_39] : memref<6144x1024xf32, #tpu.memory_space<hbm>> -> memref<16x1024xf32, #tpu.memory_space<hbm>>
        tpu.enqueue_dma source(%dma_start3A_40 : memref<16x1024xf32, #tpu.memory_space<hbm>>) target(%arg6 : memref<16x1024xf32, #tpu.memory_space<vmem>>) target_semaphore(%run_scoped3A : memref<!tpu.dma_semaphore, #tpu.memory_space<semaphore_mem>>)
        %dma_wait3A = arith.constant 0 : i32
        %dma_wait3A_41 = tpu.memref_slice %arg2[%add3A_19, %dma_wait3A] : memref<6144x1024xf32, #tpu.memory_space<hbm>> -> memref<16x1024xf32, #tpu.memory_space<hbm>>
        %dma_wait3A_42 = arith.constant 0 : i32
        %dma_wait3A_43 = tpu.memref_slice %arg2[%add3A_19, %dma_wait3A_42] : memref<6144x1024xf32, #tpu.memory_space<hbm>> -> memref<16x1024xf32, #tpu.memory_space<hbm>>
        tpu.wait_dma2 semaphore(%run_scoped3A : memref<!tpu.dma_semaphore, #tpu.memory_space<semaphore_mem>>) src(%dma_wait3A_43 : memref<16x1024xf32, #tpu.memory_space<hbm>>) dst(%arg6 : memref<16x1024xf32, #tpu.memory_space<vmem>>)
        tpu.yield
      }) : () -> ()
      %scan3A_20 = arith.constant 0 : i32
      %scan3A_21 = arith.constant 0 : i32
      %scan3A_22 = arith.constant 1024 : i32
      %scan3A_23 = arith.addi %scan3A_21, %scan3A_22 : i32
      %scan3A_24 = arith.constant 1 : i32
      scf.for %scan3A_38 = %scan3A_21 to %scan3A_23 step %scan3A_24  : i32 {
        %jit3A = arith.constant 64 : i32
        %div3A = arith.divsi %scan3A_38, %jit3A : i32
        %sign3A = arith.constant 0 : i32
        %sign3A_39 = arith.cmpi sgt, %scan3A_38, %sign3A : i32
        %sign3A_40 = arith.extui %sign3A_39 : i1 to i32
        %sign3A_41 = arith.constant 0 : i32
        %sign3A_42 = arith.cmpi slt, %scan3A_38, %sign3A_41 : i32
        %sign3A_43 = arith.extui %sign3A_42 : i1 to i32
        %sign3A_44 = arith.subi %sign3A_40, %sign3A_43 : i32
        %sign3A_45 = arith.constant 0 : i32
        %sign3A_46 = arith.cmpi sgt, %jit3A, %sign3A_45 : i32
        %sign3A_47 = arith.extui %sign3A_46 : i1 to i32
        %sign3A_48 = arith.constant 0 : i32
        %sign3A_49 = arith.cmpi slt, %jit3A, %sign3A_48 : i32
        %sign3A_50 = arith.extui %sign3A_49 : i1 to i32
        %sign3A_51 = arith.subi %sign3A_47, %sign3A_50 : i32
        %ne3A = arith.cmpi ne, %sign3A_44, %sign3A_51 : i32
        %rem3A = arith.remsi %scan3A_38, %jit3A : i32
        %ne3A_52 = arith.constant 0 : i32
        %ne3A_53 = arith.cmpi ne, %rem3A, %ne3A_52 : i32
        %and3A = arith.andi %ne3A, %ne3A_53 : i1
        %sub3A = arith.constant 1 : i32
        %sub3A_54 = arith.subi %div3A, %sub3A : i32
        %select_n3A = arith.select %and3A, %sub3A_54, %div3A : i32
        %jit3A_55 = arith.constant 64 : i32
        %eq3A = arith.constant 0 : i32
        %eq3A_56 = arith.cmpi eq, %jit3A_55, %eq3A : i32
        %jit3A_57 = arith.constant 1 : i32
        %select_n3A_58 = arith.select %eq3A_56, %jit3A_57, %jit3A_55 : i32
        %rem3A_59 = arith.remsi %scan3A_38, %select_n3A_58 : i32
        %ne3A_60 = arith.constant 0 : i32
        %ne3A_61 = arith.cmpi ne, %rem3A_59, %ne3A_60 : i32
        %lt3A = arith.constant 0 : i32
        %lt3A_62 = arith.cmpi slt, %rem3A_59, %lt3A : i32
        %lt3A_63 = arith.constant 0 : i32
        %lt3A_64 = arith.cmpi slt, %select_n3A_58, %lt3A_63 : i32
        %ne3A_65 = arith.xori %lt3A_62, %lt3A_64 : i1
        %and3A_66 = arith.andi %ne3A_65, %ne3A_61 : i1
        %add3A_67 = arith.addi %rem3A_59, %select_n3A_58 : i32
        %select_n3A_68 = arith.select %and3A_66, %add3A_67, %rem3A_59 : i32
        %mul3A_69 = arith.constant 16 : i32
        %mul3A_70 = arith.muli %select_n3A_68, %mul3A_69 : i32
        %get3A_71 = arith.index_cast %select_n3A : i32 to index
        %get3A_72 = arith.index_cast %mul3A_70 : i32 to index
        %get3A_73 = tpu.vector_load %arg6[%get3A_71, %get3A_72] {strides = array<i32>} : memref<16x1024xf32, #tpu.memory_space<vmem>>, vector<1x16xf32>,
        %get3A_74 = vector.shape_cast %get3A_73 : vector<1x16xf32> to vector<16xf32>
        %bitcast_convert_type3A = tpu.bitcast %get3A_74 : vector<16xf32> -> vector<16xi32>
        %ge3A = arith.constant 0 : i32
        %ge3A_75 = vector.broadcast %ge3A : i32 to vector<16xi32>
        %ge3A_76 = arith.cmpi sge, %bitcast_convert_type3A, %ge3A_75 : vector<16xi32>
        %xor3A = arith.constant 2147483647 : i32
        %xor3A_77 = vector.broadcast %xor3A : i32 to vector<16xi32>
        %xor3A_78 = arith.xori %bitcast_convert_type3A, %xor3A_77 : vector<16xi32>
        %select_n3A_79 = arith.select %ge3A_76, %bitcast_convert_type3A, %xor3A_78 : vector<16xi1>, vector<16xi32>
        %swap3A_80 = arith.index_cast %select_n3A : i32 to index
        %swap3A_81 = arith.index_cast %mul3A_70 : i32 to index
        %swap3A_82 = tpu.vector_load %arg7[%swap3A_80, %swap3A_81] {strides = array<i32>} : memref<16x1024xi32, #tpu.memory_space<vmem>>, vector<1x16xi32>,
        %swap3A_83 = vector.shape_cast %swap3A_82 : vector<1x16xi32> to vector<16xi32>
        %swap3A_84 = vector.shape_cast %select_n3A_79 : vector<16xi32> to vector<1x16xi32>
        tpu.vector_store %arg7[%swap3A_80, %swap3A_81], %swap3A_84 {strides = array<i32>} : memref<16x1024xi32, #tpu.memory_space<vmem>>, vector<1x16xi32>,
      }
      %scan3A_25 = arith.constant 1024 : i32
      %broadcast_in_dim3A = arith.constant 0.000000e+00 : f32
      %broadcast_in_dim3A_26 = vector.broadcast %broadcast_in_dim3A : f32 to vector<16xf32>
      %scan3A_27 = arith.constant 0 : i32
      %scan3A_28 = arith.constant 16 : i32
      %scan3A_29 = arith.addi %scan3A_27, %scan3A_28 : i32
      %scan3A_30 = arith.constant 1 : i32
      %scan3A_31 = scf.for %scan3A_38 = %scan3A_27 to %scan3A_29 step %scan3A_30 iter_args(%scan3A_39 = %broadcast_in_dim3A_26) -> (vector<16xf32>)  : i32 {
        %broadcast_in_dim3A_40 = arith.constant 0 : i32
        %broadcast_in_dim3A_41 = vector.broadcast %broadcast_in_dim3A_40 : i32 to vector<16xi32>
        %broadcast_in_dim3A_42 = vector.broadcast %squeeze3A : i32 to vector<16xi32>
        %broadcast_in_dim3A_43 = vector.broadcast %squeeze3A_7 : i32 to vector<16xi32>
        %not3A = arith.constant dense<-1> : vector<16xi32>
        %not3A_44 = arith.xori %broadcast_in_dim3A_41, %not3A : vector<16xi32>
        %broadcast_in_dim3A_45 = arith.constant 0 : i32
        %broadcast_in_dim3A_46 = vector.broadcast %broadcast_in_dim3A_45 : i32 to vector<16xi32>
        %scan3A_47 = arith.constant 0 : i32
        %scan3A_48 = arith.constant 64 : i32
        %scan3A_49 = arith.addi %scan3A_47, %scan3A_48 : i32
        %scan3A_50 = arith.constant 1 : i32
        %scan3A_51:2 = scf.for %scan3A_215 = %scan3A_47 to %scan3A_49 step %scan3A_50 iter_args(%scan3A_216 = %broadcast_in_dim3A_46, %scan3A_217 = %broadcast_in_dim3A_46) -> (vector<16xi32>, vector<16xi32>)  : i32 {
          %mul3A_218 = arith.constant 16 : i32
          %mul3A_219 = arith.muli %scan3A_215, %mul3A_218 : i32
          %get3A_220 = arith.index_cast %scan3A_38 : i32 to index
          %get3A_221 = arith.index_cast %mul3A_219 : i32 to index
          %get3A_222 = tpu.vector_load %arg7[%get3A_220, %get3A_221] {strides = array<i32>} : memref<16x1024xi32, #tpu.memory_space<vmem>>, vector<1x16xi32>,
          %get3A_223 = vector.shape_cast %get3A_222 : vector<1x16xi32> to vector<16xi32>
          %ge3A_224 = arith.cmpi sge, %get3A_223, %broadcast_in_dim3A_41 : vector<16xi32>
          %jit3A = arith.constant 1 : i32
          %jit3A_225 = arith.constant 0 : i32
          %broadcast_in_dim3A_226 = vector.broadcast %jit3A : i32 to vector<16xi32>
          %broadcast_in_dim3A_227 = vector.broadcast %jit3A_225 : i32 to vector<16xi32>
          %select_n3A_228 = arith.select %ge3A_224, %broadcast_in_dim3A_226, %broadcast_in_dim3A_227 : vector<16xi1>, vector<16xi32>
          %add3A_229 = arith.addi %scan3A_216, %select_n3A_228 : vector<16xi32>
          %le3A = arith.cmpi sle, %get3A_223, %not3A_44 : vector<16xi32>
          %jit3A_230 = arith.constant 1 : i32
          %jit3A_231 = arith.constant 0 : i32
          %broadcast_in_dim3A_232 = vector.broadcast %jit3A_230 : i32 to vector<16xi32>
          %broadcast_in_dim3A_233 = vector.broadcast %jit3A_231 : i32 to vector<16xi32>
          %select_n3A_234 = arith.select %le3A, %broadcast_in_dim3A_232, %broadcast_in_dim3A_233 : vector<16xi1>, vector<16xi32>
          %add3A_235 = arith.addi %scan3A_217, %select_n3A_234 : vector<16xi32>
          scf.yield %add3A_229, %add3A_235 : vector<16xi32>, vector<16xi32>
        }
        %scan3A_52 = arith.constant 64 : i32
        %iota3A = tpu.iota {dimensions = array<i32: 0>} : vector<16xi32>
        %xor3A = arith.constant 1 : i32
        %xor3A_53 = vector.broadcast %xor3A : i32 to vector<16xi32>
        %xor3A_54 = arith.xori %iota3A, %xor3A_53 : vector<16xi32>
        %reshape3A = vector.shape_cast %xor3A_54 : vector<16xi32> to vector<16x1xi32>
        %gather3A = vector.shape_cast %reshape3A : vector<16x1xi32> to vector<16xi32>
        %gather3A_55 = tpu.dynamic_gather %scan3A_51#0[%gather3A] in [0] : vector<16xi32>, vector<16xi32> -> vector<16xi32>
        %add3A_56 = arith.addi %scan3A_51#0, %gather3A_55 : vector<16xi32>
        %xor3A_57 = arith.constant 2 : i32
        %xor3A_58 = vector.broadcast %xor3A_57 : i32 to vector<16xi32>
        %xor3A_59 = arith.xori %iota3A, %xor3A_58 : vector<16xi32>
        %reshape3A_60 = vector.shape_cast %xor3A_59 : vector<16xi32> to vector<16x1xi32>
        %gather3A_61 = vector.shape_cast %reshape3A_60 : vector<16x1xi32> to vector<16xi32>
        %gather3A_62 = tpu.dynamic_gather %add3A_56[%gather3A_61] in [0] : vector<16xi32>, vector<16xi32> -> vector<16xi32>
        %add3A_63 = arith.addi %add3A_56, %gather3A_62 : vector<16xi32>
        %xor3A_64 = arith.constant 4 : i32
        %xor3A_65 = vector.broadcast %xor3A_64 : i32 to vector<16xi32>
        %xor3A_66 = arith.xori %iota3A, %xor3A_65 : vector<16xi32>
        %reshape3A_67 = vector.shape_cast %xor3A_66 : vector<16xi32> to vector<16x1xi32>
        %gather3A_68 = vector.shape_cast %reshape3A_67 : vector<16x1xi32> to vector<16xi32>
        %gather3A_69 = tpu.dynamic_gather %add3A_63[%gather3A_68] in [0] : vector<16xi32>, vector<16xi32> -> vector<16xi32>
        %add3A_70 = arith.addi %add3A_63, %gather3A_69 : vector<16xi32>
        %xor3A_71 = arith.constant 8 : i32
        %xor3A_72 = vector.broadcast %xor3A_71 : i32 to vector<16xi32>
        %xor3A_73 = arith.xori %iota3A, %xor3A_72 : vector<16xi32>
        %reshape3A_74 = vector.shape_cast %xor3A_73 : vector<16xi32> to vector<16x1xi32>
        %gather3A_75 = vector.shape_cast %reshape3A_74 : vector<16x1xi32> to vector<16xi32>
        %gather3A_76 = tpu.dynamic_gather %add3A_70[%gather3A_75] in [0] : vector<16xi32>, vector<16xi32> -> vector<16xi32>
        %add3A_77 = arith.addi %add3A_70, %gather3A_76 : vector<16xi32>
        %iota3A_78 = tpu.iota {dimensions = array<i32: 0>} : vector<16xi32>
        %xor3A_79 = arith.constant 1 : i32
        %xor3A_80 = vector.broadcast %xor3A_79 : i32 to vector<16xi32>
        %xor3A_81 = arith.xori %iota3A_78, %xor3A_80 : vector<16xi32>
        %reshape3A_82 = vector.shape_cast %xor3A_81 : vector<16xi32> to vector<16x1xi32>
        %gather3A_83 = vector.shape_cast %reshape3A_82 : vector<16x1xi32> to vector<16xi32>
        %gather3A_84 = tpu.dynamic_gather %scan3A_51#1[%gather3A_83] in [0] : vector<16xi32>, vector<16xi32> -> vector<16xi32>
        %add3A_85 = arith.addi %scan3A_51#1, %gather3A_84 : vector<16xi32>
        %xor3A_86 = arith.constant 2 : i32
        %xor3A_87 = vector.broadcast %xor3A_86 : i32 to vector<16xi32>
        %xor3A_88 = arith.xori %iota3A_78, %xor3A_87 : vector<16xi32>
        %reshape3A_89 = vector.shape_cast %xor3A_88 : vector<16xi32> to vector<16x1xi32>
        %gather3A_90 = vector.shape_cast %reshape3A_89 : vector<16x1xi32> to vector<16xi32>
        %gather3A_91 = tpu.dynamic_gather %add3A_85[%gather3A_90] in [0] : vector<16xi32>, vector<16xi32> -> vector<16xi32>
        %add3A_92 = arith.addi %add3A_85, %gather3A_91 : vector<16xi32>
        %xor3A_93 = arith.constant 4 : i32
        %xor3A_94 = vector.broadcast %xor3A_93 : i32 to vector<16xi32>
        %xor3A_95 = arith.xori %iota3A_78, %xor3A_94 : vector<16xi32>
        %reshape3A_96 = vector.shape_cast %xor3A_95 : vector<16xi32> to vector<16x1xi32>
        %gather3A_97 = vector.shape_cast %reshape3A_96 : vector<16x1xi32> to vector<16xi32>
        %gather3A_98 = tpu.dynamic_gather %add3A_92[%gather3A_97] in [0] : vector<16xi32>, vector<16xi32> -> vector<16xi32>
        %add3A_99 = arith.addi %add3A_92, %gather3A_98 : vector<16xi32>
        %xor3A_100 = arith.constant 8 : i32
        %xor3A_101 = vector.broadcast %xor3A_100 : i32 to vector<16xi32>
        %xor3A_102 = arith.xori %iota3A_78, %xor3A_101 : vector<16xi32>
        %reshape3A_103 = vector.shape_cast %xor3A_102 : vector<16xi32> to vector<16x1xi32>
        %gather3A_104 = vector.shape_cast %reshape3A_103 : vector<16x1xi32> to vector<16xi32>
        %gather3A_105 = tpu.dynamic_gather %add3A_99[%gather3A_104] in [0] : vector<16xi32>, vector<16xi32> -> vector<16xi32>
        %add3A_106 = arith.addi %add3A_99, %gather3A_105 : vector<16xi32>
        %ge3A = arith.cmpi sge, %add3A_77, %broadcast_in_dim3A_42 : vector<16xi32>
        %select_n3A = arith.select %ge3A, %broadcast_in_dim3A_41, %broadcast_in_dim3A_43 : vector<16xi1>, vector<16xi32>
        %ge3A_107 = arith.cmpi sge, %add3A_106, %broadcast_in_dim3A_42 : vector<16xi32>
        %select_n3A_108 = arith.select %ge3A_107, %broadcast_in_dim3A_41, %broadcast_in_dim3A_43 : vector<16xi1>, vector<16xi32>
        %scan3A_109 = arith.constant 0 : i32
        %scan3A_110 = arith.constant 31 : i32
        %scan3A_111 = arith.addi %scan3A_109, %scan3A_110 : i32
        %scan3A_112 = arith.constant 1 : i32
        %scan3A_113:2 = scf.for %scan3A_215 = %scan3A_109 to %scan3A_111 step %scan3A_112 iter_args(%scan3A_216 = %select_n3A, %scan3A_217 = %select_n3A_108) -> (vector<16xi32>, vector<16xi32>)  : i32 {
          %sub3A_218 = arith.constant 30 : i32
          %sub3A_219 = arith.subi %sub3A_218, %scan3A_215 : i32
          %shift_left3A = arith.constant 1 : i32
          %shift_left3A_220 = arith.shli %shift_left3A, %sub3A_219 : i32
          %broadcast_in_dim3A_221 = vector.broadcast %shift_left3A_220 : i32 to vector<16xi32>
          %add3A_222 = arith.addi %scan3A_216, %broadcast_in_dim3A_221 : vector<16xi32>
          %add3A_223 = arith.addi %scan3A_217, %broadcast_in_dim3A_221 : vector<16xi32>
          %not3A_224 = arith.constant dense<-1> : vector<16xi32>
          %not3A_225 = arith.xori %add3A_223, %not3A_224 : vector<16xi32>
          %broadcast_in_dim3A_226 = arith.constant 0 : i32
          %broadcast_in_dim3A_227 = vector.broadcast %broadcast_in_dim3A_226 : i32 to vector<16xi32>
          %scan3A_228 = arith.constant 0 : i32
          %scan3A_229 = arith.constant 64 : i32
          %scan3A_230 = arith.addi %scan3A_228, %scan3A_229 : i32
          %scan3A_231 = arith.constant 1 : i32
          %scan3A_232:2 = scf.for %scan3A_296 = %scan3A_228 to %scan3A_230 step %scan3A_231 iter_args(%scan3A_297 = %broadcast_in_dim3A_227, %scan3A_298 = %broadcast_in_dim3A_227) -> (vector<16xi32>, vector<16xi32>)  : i32 {
            %mul3A_299 = arith.constant 16 : i32
            %mul3A_300 = arith.muli %scan3A_296, %mul3A_299 : i32
            %get3A_301 = arith.index_cast %scan3A_38 : i32 to index
            %get3A_302 = arith.index_cast %mul3A_300 : i32 to index
            %get3A_303 = tpu.vector_load %arg7[%get3A_301, %get3A_302] {strides = array<i32>} : memref<16x1024xi32, #tpu.memory_space<vmem>>, vector<1x16xi32>,
            %get3A_304 = vector.shape_cast %get3A_303 : vector<1x16xi32> to vector<16xi32>
            %ge3A_305 = arith.cmpi sge, %get3A_304, %add3A_222 : vector<16xi32>
            %jit3A = arith.constant 1 : i32
            %jit3A_306 = arith.constant 0 : i32
            %broadcast_in_dim3A_307 = vector.broadcast %jit3A : i32 to vector<16xi32>
            %broadcast_in_dim3A_308 = vector.broadcast %jit3A_306 : i32 to vector<16xi32>
            %select_n3A_309 = arith.select %ge3A_305, %broadcast_in_dim3A_307, %broadcast_in_dim3A_308 : vector<16xi1>, vector<16xi32>
            %add3A_310 = arith.addi %scan3A_297, %select_n3A_309 : vector<16xi32>
            %le3A = arith.cmpi sle, %get3A_304, %not3A_225 : vector<16xi32>
            %jit3A_311 = arith.constant 1 : i32
            %jit3A_312 = arith.constant 0 : i32
            %broadcast_in_dim3A_313 = vector.broadcast %jit3A_311 : i32 to vector<16xi32>
            %broadcast_in_dim3A_314 = vector.broadcast %jit3A_312 : i32 to vector<16xi32>
            %select_n3A_315 = arith.select %le3A, %broadcast_in_dim3A_313, %broadcast_in_dim3A_314 : vector<16xi1>, vector<16xi32>
            %add3A_316 = arith.addi %scan3A_298, %select_n3A_315 : vector<16xi32>
            scf.yield %add3A_310, %add3A_316 : vector<16xi32>, vector<16xi32>
          }
          %scan3A_233 = arith.constant 64 : i32
          %iota3A_234 = tpu.iota {dimensions = array<i32: 0>} : vector<16xi32>
          %xor3A_235 = arith.constant 1 : i32
          %xor3A_236 = vector.broadcast %xor3A_235 : i32 to vector<16xi32>
          %xor3A_237 = arith.xori %iota3A_234, %xor3A_236 : vector<16xi32>
          %reshape3A_238 = vector.shape_cast %xor3A_237 : vector<16xi32> to vector<16x1xi32>
          %gather3A_239 = vector.shape_cast %reshape3A_238 : vector<16x1xi32> to vector<16xi32>
          %gather3A_240 = tpu.dynamic_gather %scan3A_232#0[%gather3A_239] in [0] : vector<16xi32>, vector<16xi32> -> vector<16xi32>
          %add3A_241 = arith.addi %scan3A_232#0, %gather3A_240 : vector<16xi32>
          %xor3A_242 = arith.constant 2 : i32
          %xor3A_243 = vector.broadcast %xor3A_242 : i32 to vector<16xi32>
          %xor3A_244 = arith.xori %iota3A_234, %xor3A_243 : vector<16xi32>
          %reshape3A_245 = vector.shape_cast %xor3A_244 : vector<16xi32> to vector<16x1xi32>
          %gather3A_246 = vector.shape_cast %reshape3A_245 : vector<16x1xi32> to vector<16xi32>
          %gather3A_247 = tpu.dynamic_gather %add3A_241[%gather3A_246] in [0] : vector<16xi32>, vector<16xi32> -> vector<16xi32>
          %add3A_248 = arith.addi %add3A_241, %gather3A_247 : vector<16xi32>
          %xor3A_249 = arith.constant 4 : i32
          %xor3A_250 = vector.broadcast %xor3A_249 : i32 to vector<16xi32>
          %xor3A_251 = arith.xori %iota3A_234, %xor3A_250 : vector<16xi32>
          %reshape3A_252 = vector.shape_cast %xor3A_251 : vector<16xi32> to vector<16x1xi32>
          %gather3A_253 = vector.shape_cast %reshape3A_252 : vector<16x1xi32> to vector<16xi32>
          %gather3A_254 = tpu.dynamic_gather %add3A_248[%gather3A_253] in [0] : vector<16xi32>, vector<16xi32> -> vector<16xi32>
          %add3A_255 = arith.addi %add3A_248, %gather3A_254 : vector<16xi32>
          %xor3A_256 = arith.constant 8 : i32
          %xor3A_257 = vector.broadcast %xor3A_256 : i32 to vector<16xi32>
          %xor3A_258 = arith.xori %iota3A_234, %xor3A_257 : vector<16xi32>
          %reshape3A_259 = vector.shape_cast %xor3A_258 : vector<16xi32> to vector<16x1xi32>
          %gather3A_260 = vector.shape_cast %reshape3A_259 : vector<16x1xi32> to vector<16xi32>
          %gather3A_261 = tpu.dynamic_gather %add3A_255[%gather3A_260] in [0] : vector<16xi32>, vector<16xi32> -> vector<16xi32>
          %add3A_262 = arith.addi %add3A_255, %gather3A_261 : vector<16xi32>
          %iota3A_263 = tpu.iota {dimensions = array<i32: 0>} : vector<16xi32>
          %xor3A_264 = arith.constant 1 : i32
          %xor3A_265 = vector.broadcast %xor3A_264 : i32 to vector<16xi32>
          %xor3A_266 = arith.xori %iota3A_263, %xor3A_265 : vector<16xi32>
          %reshape3A_267 = vector.shape_cast %xor3A_266 : vector<16xi32> to vector<16x1xi32>
          %gather3A_268 = vector.shape_cast %reshape3A_267 : vector<16x1xi32> to vector<16xi32>
          %gather3A_269 = tpu.dynamic_gather %scan3A_232#1[%gather3A_268] in [0] : vector<16xi32>, vector<16xi32> -> vector<16xi32>
          %add3A_270 = arith.addi %scan3A_232#1, %gather3A_269 : vector<16xi32>
          %xor3A_271 = arith.constant 2 : i32
          %xor3A_272 = vector.broadcast %xor3A_271 : i32 to vector<16xi32>
          %xor3A_273 = arith.xori %iota3A_263, %xor3A_272 : vector<16xi32>
          %reshape3A_274 = vector.shape_cast %xor3A_273 : vector<16xi32> to vector<16x1xi32>
          %gather3A_275 = vector.shape_cast %reshape3A_274 : vector<16x1xi32> to vector<16xi32>
          %gather3A_276 = tpu.dynamic_gather %add3A_270[%gather3A_275] in [0] : vector<16xi32>, vector<16xi32> -> vector<16xi32>
          %add3A_277 = arith.addi %add3A_270, %gather3A_276 : vector<16xi32>
          %xor3A_278 = arith.constant 4 : i32
          %xor3A_279 = vector.broadcast %xor3A_278 : i32 to vector<16xi32>
          %xor3A_280 = arith.xori %iota3A_263, %xor3A_279 : vector<16xi32>
          %reshape3A_281 = vector.shape_cast %xor3A_280 : vector<16xi32> to vector<16x1xi32>
          %gather3A_282 = vector.shape_cast %reshape3A_281 : vector<16x1xi32> to vector<16xi32>
          %gather3A_283 = tpu.dynamic_gather %add3A_277[%gather3A_282] in [0] : vector<16xi32>, vector<16xi32> -> vector<16xi32>
          %add3A_284 = arith.addi %add3A_277, %gather3A_283 : vector<16xi32>
          %xor3A_285 = arith.constant 8 : i32
          %xor3A_286 = vector.broadcast %xor3A_285 : i32 to vector<16xi32>
          %xor3A_287 = arith.xori %iota3A_263, %xor3A_286 : vector<16xi32>
          %reshape3A_288 = vector.shape_cast %xor3A_287 : vector<16xi32> to vector<16x1xi32>
          %gather3A_289 = vector.shape_cast %reshape3A_288 : vector<16x1xi32> to vector<16xi32>
          %gather3A_290 = tpu.dynamic_gather %add3A_284[%gather3A_289] in [0] : vector<16xi32>, vector<16xi32> -> vector<16xi32>
          %add3A_291 = arith.addi %add3A_284, %gather3A_290 : vector<16xi32>
          %ge3A_292 = arith.cmpi sge, %add3A_262, %broadcast_in_dim3A_42 : vector<16xi32>
          %select_n3A_293 = arith.select %ge3A_292, %add3A_222, %scan3A_216 : vector<16xi1>, vector<16xi32>
          %ge3A_294 = arith.cmpi sge, %add3A_291, %broadcast_in_dim3A_42 : vector<16xi32>
          %select_n3A_295 = arith.select %ge3A_294, %add3A_223, %scan3A_217 : vector<16xi1>, vector<16xi32>
          scf.yield %select_n3A_293, %select_n3A_295 : vector<16xi32>, vector<16xi32>
        }
        %scan3A_114 = arith.constant 31 : i32
        %ge3A_115 = arith.constant 0 : i32
        %ge3A_116 = vector.broadcast %ge3A_115 : i32 to vector<16xi32>
        %ge3A_117 = arith.cmpi sge, %scan3A_113#0, %ge3A_116 : vector<16xi32>
        %xor3A_118 = arith.constant 2147483647 : i32
        %xor3A_119 = vector.broadcast %xor3A_118 : i32 to vector<16xi32>
        %xor3A_120 = arith.xori %scan3A_113#0, %xor3A_119 : vector<16xi32>
        %select_n3A_121 = arith.select %ge3A_117, %scan3A_113#0, %xor3A_120 : vector<16xi1>, vector<16xi32>
        %bitcast_convert_type3A = tpu.bitcast %select_n3A_121 : vector<16xi32> -> vector<16xf32>
        %not3A_122 = arith.constant dense<-1> : vector<16xi32>
        %not3A_123 = arith.xori %scan3A_113#1, %not3A_122 : vector<16xi32>
        %ge3A_124 = arith.constant 0 : i32
        %ge3A_125 = vector.broadcast %ge3A_124 : i32 to vector<16xi32>
        %ge3A_126 = arith.cmpi sge, %not3A_123, %ge3A_125 : vector<16xi32>
        %xor3A_127 = arith.constant 2147483647 : i32
        %xor3A_128 = vector.broadcast %xor3A_127 : i32 to vector<16xi32>
        %xor3A_129 = arith.xori %not3A_123, %xor3A_128 : vector<16xi32>
        %select_n3A_130 = arith.select %ge3A_126, %not3A_123, %xor3A_129 : vector<16xi1>, vector<16xi32>
        %bitcast_convert_type3A_131 = tpu.bitcast %select_n3A_130 : vector<16xi32> -> vector<16xf32>
        %broadcast_in_dim3A_132 = arith.constant 0.000000e+00 : f32
        %broadcast_in_dim3A_133 = vector.broadcast %broadcast_in_dim3A_132 : f32 to vector<16xf32>
        %scan3A_134 = arith.constant 0 : i32
        %scan3A_135 = arith.constant 64 : i32
        %scan3A_136 = arith.addi %scan3A_134, %scan3A_135 : i32
        %scan3A_137 = arith.constant 1 : i32
        %scan3A_138:2 = scf.for %scan3A_215 = %scan3A_134 to %scan3A_136 step %scan3A_137 iter_args(%scan3A_216 = %broadcast_in_dim3A_133, %scan3A_217 = %broadcast_in_dim3A_133) -> (vector<16xf32>, vector<16xf32>)  : i32 {
          %mul3A_218 = arith.constant 16 : i32
          %mul3A_219 = arith.muli %scan3A_215, %mul3A_218 : i32
          %get3A_220 = arith.index_cast %scan3A_38 : i32 to index
          %get3A_221 = arith.index_cast %mul3A_219 : i32 to index
          %get3A_222 = tpu.vector_load %arg6[%get3A_220, %get3A_221] {strides = array<i32>} : memref<16x1024xf32, #tpu.memory_space<vmem>>, vector<1x16xf32>,
          %get3A_223 = vector.shape_cast %get3A_222 : vector<1x16xf32> to vector<16xf32>
          %sub3A_224 = arith.subf %get3A_223, %bitcast_convert_type3A : vector<16xf32>
          %max3A = arith.constant 0.000000e+00 : f32
          %max3A_225 = vector.broadcast %max3A : f32 to vector<16xf32>
          %max3A_226 = arith.maximumf %sub3A_224, %max3A_225 : vector<16xf32>
          %add3A_227 = arith.addf %scan3A_216, %max3A_226 : vector<16xf32>
          %sub3A_228 = arith.subf %bitcast_convert_type3A_131, %get3A_223 : vector<16xf32>
          %max3A_229 = arith.constant 0.000000e+00 : f32
          %max3A_230 = vector.broadcast %max3A_229 : f32 to vector<16xf32>
          %max3A_231 = arith.maximumf %sub3A_228, %max3A_230 : vector<16xf32>
          %add3A_232 = arith.addf %scan3A_217, %max3A_231 : vector<16xf32>
          scf.yield %add3A_227, %add3A_232 : vector<16xf32>, vector<16xf32>
        }
        %scan3A_139 = arith.constant 64 : i32
        %mul3A_140 = arith.constant 2.050000e+02 : f32
        %mul3A_141 = vector.broadcast %mul3A_140 : f32 to vector<16xf32>
        %mul3A_142 = arith.mulf %mul3A_141, %bitcast_convert_type3A : vector<16xf32>
        %iota3A_143 = tpu.iota {dimensions = array<i32: 0>} : vector<16xi32>
        %xor3A_144 = arith.constant 1 : i32
        %xor3A_145 = vector.broadcast %xor3A_144 : i32 to vector<16xi32>
        %xor3A_146 = arith.xori %iota3A_143, %xor3A_145 : vector<16xi32>
        %reshape3A_147 = vector.shape_cast %xor3A_146 : vector<16xi32> to vector<16x1xi32>
        %gather3A_148 = vector.shape_cast %reshape3A_147 : vector<16x1xi32> to vector<16xi32>
        %gather3A_149 = tpu.dynamic_gather %scan3A_138#0[%gather3A_148] in [0] : vector<16xf32>, vector<16xi32> -> vector<16xf32>
        %add3A_150 = arith.addf %scan3A_138#0, %gather3A_149 : vector<16xf32>
        %xor3A_151 = arith.constant 2 : i32
        %xor3A_152 = vector.broadcast %xor3A_151 : i32 to vector<16xi32>
        %xor3A_153 = arith.xori %iota3A_143, %xor3A_152 : vector<16xi32>
        %reshape3A_154 = vector.shape_cast %xor3A_153 : vector<16xi32> to vector<16x1xi32>
        %gather3A_155 = vector.shape_cast %reshape3A_154 : vector<16x1xi32> to vector<16xi32>
        %gather3A_156 = tpu.dynamic_gather %add3A_150[%gather3A_155] in [0] : vector<16xf32>, vector<16xi32> -> vector<16xf32>
        %add3A_157 = arith.addf %add3A_150, %gather3A_156 : vector<16xf32>
        %xor3A_158 = arith.constant 4 : i32
        %xor3A_159 = vector.broadcast %xor3A_158 : i32 to vector<16xi32>
        %xor3A_160 = arith.xori %iota3A_143, %xor3A_159 : vector<16xi32>
        %reshape3A_161 = vector.shape_cast %xor3A_160 : vector<16xi32> to vector<16x1xi32>
        %gather3A_162 = vector.shape_cast %reshape3A_161 : vector<16x1xi32> to vector<16xi32>
        %gather3A_163 = tpu.dynamic_gather %add3A_157[%gather3A_162] in [0] : vector<16xf32>, vector<16xi32> -> vector<16xf32>
        %add3A_164 = arith.addf %add3A_157, %gather3A_163 : vector<16xf32>
        %xor3A_165 = arith.constant 8 : i32
        %xor3A_166 = vector.broadcast %xor3A_165 : i32 to vector<16xi32>
        %xor3A_167 = arith.xori %iota3A_143, %xor3A_166 : vector<16xi32>
        %reshape3A_168 = vector.shape_cast %xor3A_167 : vector<16xi32> to vector<16x1xi32>
        %gather3A_169 = vector.shape_cast %reshape3A_168 : vector<16x1xi32> to vector<16xi32>
        %gather3A_170 = tpu.dynamic_gather %add3A_164[%gather3A_169] in [0] : vector<16xf32>, vector<16xi32> -> vector<16xf32>
        %add3A_171 = arith.addf %add3A_164, %gather3A_170 : vector<16xf32>
        %add3A_172 = arith.addf %mul3A_142, %add3A_171 : vector<16xf32>
        %mul3A_173 = arith.constant 2.050000e+02 : f32
        %mul3A_174 = vector.broadcast %mul3A_173 : f32 to vector<16xf32>
        %mul3A_175 = arith.mulf %mul3A_174, %bitcast_convert_type3A_131 : vector<16xf32>
        %iota3A_176 = tpu.iota {dimensions = array<i32: 0>} : vector<16xi32>
        %xor3A_177 = arith.constant 1 : i32
        %xor3A_178 = vector.broadcast %xor3A_177 : i32 to vector<16xi32>
        %xor3A_179 = arith.xori %iota3A_176, %xor3A_178 : vector<16xi32>
        %reshape3A_180 = vector.shape_cast %xor3A_179 : vector<16xi32> to vector<16x1xi32>
        %gather3A_181 = vector.shape_cast %reshape3A_180 : vector<16x1xi32> to vector<16xi32>
        %gather3A_182 = tpu.dynamic_gather %scan3A_138#1[%gather3A_181] in [0] : vector<16xf32>, vector<16xi32> -> vector<16xf32>
        %add3A_183 = arith.addf %scan3A_138#1, %gather3A_182 : vector<16xf32>
        %xor3A_184 = arith.constant 2 : i32
        %xor3A_185 = vector.broadcast %xor3A_184 : i32 to vector<16xi32>
        %xor3A_186 = arith.xori %iota3A_176, %xor3A_185 : vector<16xi32>
        %reshape3A_187 = vector.shape_cast %xor3A_186 : vector<16xi32> to vector<16x1xi32>
        %gather3A_188 = vector.shape_cast %reshape3A_187 : vector<16x1xi32> to vector<16xi32>
        %gather3A_189 = tpu.dynamic_gather %add3A_183[%gather3A_188] in [0] : vector<16xf32>, vector<16xi32> -> vector<16xf32>
        %add3A_190 = arith.addf %add3A_183, %gather3A_189 : vector<16xf32>
        %xor3A_191 = arith.constant 4 : i32
        %xor3A_192 = vector.broadcast %xor3A_191 : i32 to vector<16xi32>
        %xor3A_193 = arith.xori %iota3A_176, %xor3A_192 : vector<16xi32>
        %reshape3A_194 = vector.shape_cast %xor3A_193 : vector<16xi32> to vector<16x1xi32>
        %gather3A_195 = vector.shape_cast %reshape3A_194 : vector<16x1xi32> to vector<16xi32>
        %gather3A_196 = tpu.dynamic_gather %add3A_190[%gather3A_195] in [0] : vector<16xf32>, vector<16xi32> -> vector<16xf32>
        %add3A_197 = arith.addf %add3A_190, %gather3A_196 : vector<16xf32>
        %xor3A_198 = arith.constant 8 : i32
        %xor3A_199 = vector.broadcast %xor3A_198 : i32 to vector<16xi32>
        %xor3A_200 = arith.xori %iota3A_176, %xor3A_199 : vector<16xi32>
        %reshape3A_201 = vector.shape_cast %xor3A_200 : vector<16xi32> to vector<16x1xi32>
        %gather3A_202 = vector.shape_cast %reshape3A_201 : vector<16x1xi32> to vector<16xi32>
        %gather3A_203 = tpu.dynamic_gather %add3A_197[%gather3A_202] in [0] : vector<16xf32>, vector<16xi32> -> vector<16xf32>
        %add3A_204 = arith.addf %add3A_197, %gather3A_203 : vector<16xf32>
        %sub3A = arith.subf %mul3A_175, %add3A_204 : vector<16xf32>
        %mul3A_205 = arith.constant 0.699999988 : f32
        %mul3A_206 = vector.broadcast %mul3A_205 : f32 to vector<16xf32>
        %mul3A_207 = arith.mulf %mul3A_206, %sub3A : vector<16xf32>
        %add3A_208 = arith.addf %add3A_172, %mul3A_207 : vector<16xf32>
        %mul3A_209 = arith.constant 0.00243902439 : f32
        %mul3A_210 = vector.broadcast %mul3A_209 : f32 to vector<16xf32>
        %mul3A_211 = arith.mulf %add3A_208, %mul3A_210 : vector<16xf32>
        %iota3A_212 = tpu.iota {dimensions = array<i32: 0>} : vector<16xi32>
        %eq3A = vector.broadcast %scan3A_38 : i32 to vector<16xi32>
        %eq3A_213 = arith.cmpi eq, %iota3A_212, %eq3A : vector<16xi32>
        %select_n3A_214 = arith.select %eq3A_213, %mul3A_211, %scan3A_39 : vector<16xi1>, vector<16xf32>
        scf.yield %select_n3A_214 : vector<16xf32>
      }
      %scan3A_32 = arith.constant 16 : i32
      %mul3A_33 = arith.constant 16 : i32
      %mul3A_34 = arith.muli %scan3A_16, %mul3A_33 : i32
      %swap3A = arith.index_cast %mul3A_34 : i32 to index
      %swap3A_35 = tpu.vector_load %arg8[%swap3A] {strides = array<i32>} : memref<192xf32, #tpu.memory_space<vmem>>, vector<16xf32>,
      %swap3A_36 = vector.shape_cast %swap3A_35 : vector<16xf32> to vector<16xf32>
      %swap3A_37 = vector.shape_cast %scan3A_31 : vector<16xf32> to vector<16xf32>
      tpu.vector_store %arg8[%swap3A], %swap3A_37 {strides = array<i32>} : memref<192xf32, #tpu.memory_space<vmem>>, vector<16xf32>,
    }
    %scan3A_15 = arith.constant 12 : i32
    "tpu.region"() ({
      %run_scoped3A = tpu.sem_alloc : memref<!tpu.dma_semaphore, #tpu.memory_space<semaphore_mem>>
      %dma_start3A = tpu.memref_slice %arg5[%mul3A_10] : memref<6144xf32, #tpu.memory_space<hbm>> -> memref<192xf32, #tpu.memory_space<hbm>>
      %dma_start3A_16 = tpu.memref_slice %arg5[%mul3A_10] : memref<6144xf32, #tpu.memory_space<hbm>> -> memref<192xf32, #tpu.memory_space<hbm>>
      tpu.enqueue_dma source(%arg8 : memref<192xf32, #tpu.memory_space<vmem>>) target(%dma_start3A_16 : memref<192xf32, #tpu.memory_space<hbm>>) target_semaphore(%run_scoped3A : memref<!tpu.dma_semaphore, #tpu.memory_space<semaphore_mem>>)
      %dma_wait3A = tpu.memref_slice %arg5[%mul3A_10] : memref<6144xf32, #tpu.memory_space<hbm>> -> memref<192xf32, #tpu.memory_space<hbm>>
      %dma_wait3A_17 = tpu.memref_slice %arg5[%mul3A_10] : memref<6144xf32, #tpu.memory_space<hbm>> -> memref<192xf32, #tpu.memory_space<hbm>>
      tpu.wait_dma2 semaphore(%run_scoped3A : memref<!tpu.dma_semaphore, #tpu.memory_space<semaphore_mem>>) src(%arg8 : memref<192xf32, #tpu.memory_space<vmem>>) dst(%dma_wait3A_17 : memref<192xf32, #tpu.memory_space<hbm>>)
      tpu.yield
    }) : () -> ()
    return
  }
}

module attributes {stable_mosaic.version = 14 : i64} {
  func.func @_tc_body(%arg0: i32, %arg1: memref<256x1024xf32, #tpu.memory_space<vmem>>, %arg2: memref<1x1x256xf32, #tpu.memory_space<vmem>>) attributes {dimension_semantics = [#tpu.dimension_semantics<arbitrary>], iteration_bounds = array<i64: 168>, scalar_prefetch = 0 : i64, scratch_operands = 0 : i64, tpu.core_type = #tpu.core_type<tc>, window_params = [{transform_indices = @transform_0, window_bounds = array<i64: 256, 1024>}, {transform_indices = @transform_1, window_bounds = array<i64: 1, 1, 256>}]} {
    %get3A = arith.constant 0 : index
    %get3A_0 = arith.constant 0 : index
    %get3A_1 = vector.load %arg1[%get3A, %get3A_0] : memref<256x1024xf32, #tpu.memory_space<vmem>>, vector<256x1024xf32>
    %transpose3A = tpu.transpose %get3A_1, [1, 0] : vector<256x1024xf32> -> vector<1024x256xf32>
    %bitcast_convert_type3A = tpu.bitcast %transpose3A : vector<1024x256xf32> -> vector<1024x256xi32>
    %ge3A = arith.constant 0 : i32
    %ge3A_2 = vector.broadcast %ge3A : i32 to vector<1024x256xi32>
    %ge3A_3 = arith.cmpi sge, %bitcast_convert_type3A, %ge3A_2 : vector<1024x256xi32>
    %xor3A = arith.constant 2147483647 : i32
    %xor3A_4 = vector.broadcast %xor3A : i32 to vector<1024x256xi32>
    %xor3A_5 = arith.xori %bitcast_convert_type3A, %xor3A_4 : vector<1024x256xi32>
    %select_n3A = arith.select %ge3A_3, %bitcast_convert_type3A, %xor3A_5 : vector<1024x256xi1>, vector<1024x256xi32>
    %broadcast_in_dim3A = arith.constant 0 : i32
    %broadcast_in_dim3A_6 = vector.broadcast %broadcast_in_dim3A : i32 to vector<1x256xi32>
    %ge3A_7 = vector.broadcast %broadcast_in_dim3A_6 : vector<1x256xi32> to vector<1024x256xi32>
    %ge3A_8 = arith.cmpi sge, %select_n3A, %ge3A_7 : vector<1024x256xi32>
    %jit3A = arith.constant 1 : i32
    %jit3A_9 = arith.constant 0 : i32
    %broadcast_in_dim3A_10 = vector.broadcast %jit3A : i32 to vector<1024x256xi32>
    %broadcast_in_dim3A_11 = vector.broadcast %jit3A_9 : i32 to vector<1024x256xi32>
    %select_n3A_12 = arith.select %ge3A_8, %broadcast_in_dim3A_10, %broadcast_in_dim3A_11 : vector<1024x256xi1>, vector<1024x256xi32>
    %not3A = arith.constant dense<-1> : vector<1x256xi32>
    %not3A_13 = arith.xori %broadcast_in_dim3A_6, %not3A : vector<1x256xi32>
    %le3A = vector.broadcast %not3A_13 : vector<1x256xi32> to vector<1024x256xi32>
    %le3A_14 = arith.cmpi sle, %select_n3A, %le3A : vector<1024x256xi32>
    %jit3A_15 = arith.constant 65536 : i32
    %jit3A_16 = arith.constant 0 : i32
    %broadcast_in_dim3A_17 = vector.broadcast %jit3A_15 : i32 to vector<1024x256xi32>
    %broadcast_in_dim3A_18 = vector.broadcast %jit3A_16 : i32 to vector<1024x256xi32>
    %select_n3A_19 = arith.select %le3A_14, %broadcast_in_dim3A_17, %broadcast_in_dim3A_18 : vector<1024x256xi1>, vector<1024x256xi32>
    %add3A = arith.addi %select_n3A_12, %select_n3A_19 : vector<1024x256xi32>
    %reduce_sum3A = arith.constant dense<0> : vector<256xi32>
    %reduce_sum3A_20 = vector.multi_reduction <add>, %add3A, %reduce_sum3A [0] : vector<1024x256xi32> to vector<256xi32>
    %broadcast_in_dim3A_21 = vector.shape_cast %reduce_sum3A_20 : vector<256xi32> to vector<1x256xi32>
    %and3A = arith.constant 65535 : i32
    %and3A_22 = vector.broadcast %and3A : i32 to vector<1x256xi32>
    %and3A_23 = arith.andi %broadcast_in_dim3A_21, %and3A_22 : vector<1x256xi32>
    %shift_right_logical3A = arith.constant 16 : i32
    %shift_right_logical3A_24 = vector.broadcast %shift_right_logical3A : i32 to vector<1x256xi32>
    %shift_right_logical3A_25 = arith.shrui %broadcast_in_dim3A_21, %shift_right_logical3A_24 : vector<1x256xi32>
    %ge3A_26 = arith.constant 205 : i32
    %ge3A_27 = vector.broadcast %ge3A_26 : i32 to vector<1x256xi32>
    %ge3A_28 = arith.cmpi sge, %and3A_23, %ge3A_27 : vector<1x256xi32>
    %jit3A_29 = arith.constant 0 : i32
    %jit3A_30 = arith.constant -2147483648 : i32
    %broadcast_in_dim3A_31 = vector.broadcast %jit3A_29 : i32 to vector<1x256xi32>
    %broadcast_in_dim3A_32 = vector.broadcast %jit3A_30 : i32 to vector<1x256xi32>
    %select_n3A_33 = arith.select %ge3A_28, %broadcast_in_dim3A_31, %broadcast_in_dim3A_32 : vector<1x256xi1>, vector<1x256xi32>
    %ge3A_34 = arith.constant 205 : i32
    %ge3A_35 = vector.broadcast %ge3A_34 : i32 to vector<1x256xi32>
    %ge3A_36 = arith.cmpi sge, %shift_right_logical3A_25, %ge3A_35 : vector<1x256xi32>
    %jit3A_37 = arith.constant 0 : i32
    %jit3A_38 = arith.constant -2147483648 : i32
    %broadcast_in_dim3A_39 = vector.broadcast %jit3A_37 : i32 to vector<1x256xi32>
    %broadcast_in_dim3A_40 = vector.broadcast %jit3A_38 : i32 to vector<1x256xi32>
    %select_n3A_41 = arith.select %ge3A_36, %broadcast_in_dim3A_39, %broadcast_in_dim3A_40 : vector<1x256xi1>, vector<1x256xi32>
    %scan3A = arith.constant 205 : i32
    %scan3A_42 = arith.constant 0 : i32
    %scan3A_43 = arith.constant 31 : i32
    %scan3A_44 = arith.addi %scan3A_42, %scan3A_43 : i32
    %scan3A_45 = arith.constant 1 : i32
    %scan3A_46:2 = scf.for %scan3A_97 = %scan3A_42 to %scan3A_44 step %scan3A_45 iter_args(%scan3A_98 = %select_n3A_33, %scan3A_99 = %select_n3A_41) -> (vector<1x256xi32>, vector<1x256xi32>)  : i32 {
      %sub3A_100 = arith.constant 30 : i32
      %sub3A_101 = arith.subi %sub3A_100, %scan3A_97 : i32
      %shift_left3A = arith.constant 1 : i32
      %shift_left3A_102 = arith.shli %shift_left3A, %sub3A_101 : i32
      %add3A_103 = vector.broadcast %shift_left3A_102 : i32 to vector<1x256xi32>
      %add3A_104 = arith.addi %scan3A_98, %add3A_103 : vector<1x256xi32>
      %add3A_105 = vector.broadcast %shift_left3A_102 : i32 to vector<1x256xi32>
      %add3A_106 = arith.addi %scan3A_99, %add3A_105 : vector<1x256xi32>
      %ge3A_107 = vector.broadcast %add3A_104 : vector<1x256xi32> to vector<1024x256xi32>
      %ge3A_108 = arith.cmpi sge, %select_n3A, %ge3A_107 : vector<1024x256xi32>
      %jit3A_109 = arith.constant 1 : i32
      %jit3A_110 = arith.constant 0 : i32
      %broadcast_in_dim3A_111 = vector.broadcast %jit3A_109 : i32 to vector<1024x256xi32>
      %broadcast_in_dim3A_112 = vector.broadcast %jit3A_110 : i32 to vector<1024x256xi32>
      %select_n3A_113 = arith.select %ge3A_108, %broadcast_in_dim3A_111, %broadcast_in_dim3A_112 : vector<1024x256xi1>, vector<1024x256xi32>
      %not3A_114 = arith.constant dense<-1> : vector<1x256xi32>
      %not3A_115 = arith.xori %add3A_106, %not3A_114 : vector<1x256xi32>
      %le3A_116 = vector.broadcast %not3A_115 : vector<1x256xi32> to vector<1024x256xi32>
      %le3A_117 = arith.cmpi sle, %select_n3A, %le3A_116 : vector<1024x256xi32>
      %jit3A_118 = arith.constant 65536 : i32
      %jit3A_119 = arith.constant 0 : i32
      %broadcast_in_dim3A_120 = vector.broadcast %jit3A_118 : i32 to vector<1024x256xi32>
      %broadcast_in_dim3A_121 = vector.broadcast %jit3A_119 : i32 to vector<1024x256xi32>
      %select_n3A_122 = arith.select %le3A_117, %broadcast_in_dim3A_120, %broadcast_in_dim3A_121 : vector<1024x256xi1>, vector<1024x256xi32>
      %add3A_123 = arith.addi %select_n3A_113, %select_n3A_122 : vector<1024x256xi32>
      %reduce_sum3A_124 = arith.constant dense<0> : vector<256xi32>
      %reduce_sum3A_125 = vector.multi_reduction <add>, %add3A_123, %reduce_sum3A_124 [0] : vector<1024x256xi32> to vector<256xi32>
      %broadcast_in_dim3A_126 = vector.shape_cast %reduce_sum3A_125 : vector<256xi32> to vector<1x256xi32>
      %and3A_127 = arith.constant 65535 : i32
      %and3A_128 = vector.broadcast %and3A_127 : i32 to vector<1x256xi32>
      %and3A_129 = arith.andi %broadcast_in_dim3A_126, %and3A_128 : vector<1x256xi32>
      %shift_right_logical3A_130 = arith.constant 16 : i32
      %shift_right_logical3A_131 = vector.broadcast %shift_right_logical3A_130 : i32 to vector<1x256xi32>
      %shift_right_logical3A_132 = arith.shrui %broadcast_in_dim3A_126, %shift_right_logical3A_131 : vector<1x256xi32>
      %ge3A_133 = vector.broadcast %scan3A : i32 to vector<1x256xi32>
      %ge3A_134 = arith.cmpi sge, %and3A_129, %ge3A_133 : vector<1x256xi32>
      %select_n3A_135 = arith.select %ge3A_134, %add3A_104, %scan3A_98 : vector<1x256xi1>, vector<1x256xi32>
      %ge3A_136 = vector.broadcast %scan3A : i32 to vector<1x256xi32>
      %ge3A_137 = arith.cmpi sge, %shift_right_logical3A_132, %ge3A_136 : vector<1x256xi32>
      %select_n3A_138 = arith.select %ge3A_137, %add3A_106, %scan3A_99 : vector<1x256xi1>, vector<1x256xi32>
      scf.yield %select_n3A_135, %select_n3A_138 : vector<1x256xi32>, vector<1x256xi32>
    }
    %scan3A_47 = arith.constant 31 : i32
    %ge3A_48 = arith.constant 0 : i32
    %ge3A_49 = vector.broadcast %ge3A_48 : i32 to vector<1x256xi32>
    %ge3A_50 = arith.cmpi sge, %scan3A_46#0, %ge3A_49 : vector<1x256xi32>
    %xor3A_51 = arith.constant 2147483647 : i32
    %xor3A_52 = vector.broadcast %xor3A_51 : i32 to vector<1x256xi32>
    %xor3A_53 = arith.xori %scan3A_46#0, %xor3A_52 : vector<1x256xi32>
    %select_n3A_54 = arith.select %ge3A_50, %scan3A_46#0, %xor3A_53 : vector<1x256xi1>, vector<1x256xi32>
    %bitcast_convert_type3A_55 = tpu.bitcast %select_n3A_54 : vector<1x256xi32> -> vector<1x256xf32>
    %not3A_56 = arith.constant dense<-1> : vector<1x256xi32>
    %not3A_57 = arith.xori %scan3A_46#1, %not3A_56 : vector<1x256xi32>
    %ge3A_58 = arith.constant 0 : i32
    %ge3A_59 = vector.broadcast %ge3A_58 : i32 to vector<1x256xi32>
    %ge3A_60 = arith.cmpi sge, %not3A_57, %ge3A_59 : vector<1x256xi32>
    %xor3A_61 = arith.constant 2147483647 : i32
    %xor3A_62 = vector.broadcast %xor3A_61 : i32 to vector<1x256xi32>
    %xor3A_63 = arith.xori %not3A_57, %xor3A_62 : vector<1x256xi32>
    %select_n3A_64 = arith.select %ge3A_60, %not3A_57, %xor3A_63 : vector<1x256xi1>, vector<1x256xi32>
    %bitcast_convert_type3A_65 = tpu.bitcast %select_n3A_64 : vector<1x256xi32> -> vector<1x256xf32>
    %mul3A = arith.constant 2.050000e+02 : f32
    %mul3A_66 = vector.broadcast %mul3A : f32 to vector<1x256xf32>
    %mul3A_67 = arith.mulf %mul3A_66, %bitcast_convert_type3A_55 : vector<1x256xf32>
    %sub3A = vector.broadcast %bitcast_convert_type3A_55 : vector<1x256xf32> to vector<1024x256xf32>
    %sub3A_68 = arith.subf %transpose3A, %sub3A : vector<1024x256xf32>
    %max3A = arith.constant 0.000000e+00 : f32
    %max3A_69 = vector.broadcast %max3A : f32 to vector<1024x256xf32>
    %max3A_70 = arith.maximumf %sub3A_68, %max3A_69 : vector<1024x256xf32>
    %reduce_sum3A_71 = arith.constant dense<0.000000e+00> : vector<256xf32>
    %reduce_sum3A_72 = vector.multi_reduction <add>, %max3A_70, %reduce_sum3A_71 [0] : vector<1024x256xf32> to vector<256xf32>
    %broadcast_in_dim3A_73 = vector.shape_cast %reduce_sum3A_72 : vector<256xf32> to vector<1x256xf32>
    %add3A_74 = arith.addf %mul3A_67, %broadcast_in_dim3A_73 : vector<1x256xf32>
    %mul3A_75 = arith.constant 2.050000e+02 : f32
    %mul3A_76 = vector.broadcast %mul3A_75 : f32 to vector<1x256xf32>
    %mul3A_77 = arith.mulf %mul3A_76, %bitcast_convert_type3A_65 : vector<1x256xf32>
    %sub3A_78 = vector.broadcast %bitcast_convert_type3A_65 : vector<1x256xf32> to vector<1024x256xf32>
    %sub3A_79 = arith.subf %sub3A_78, %transpose3A : vector<1024x256xf32>
    %max3A_80 = arith.constant 0.000000e+00 : f32
    %max3A_81 = vector.broadcast %max3A_80 : f32 to vector<1024x256xf32>
    %max3A_82 = arith.maximumf %sub3A_79, %max3A_81 : vector<1024x256xf32>
    %reduce_sum3A_83 = arith.constant dense<0.000000e+00> : vector<256xf32>
    %reduce_sum3A_84 = vector.multi_reduction <add>, %max3A_82, %reduce_sum3A_83 [0] : vector<1024x256xf32> to vector<256xf32>
    %broadcast_in_dim3A_85 = vector.shape_cast %reduce_sum3A_84 : vector<256xf32> to vector<1x256xf32>
    %sub3A_86 = arith.subf %mul3A_77, %broadcast_in_dim3A_85 : vector<1x256xf32>
    %mul3A_87 = arith.constant 0.699999988 : f32
    %mul3A_88 = vector.broadcast %mul3A_87 : f32 to vector<1x256xf32>
    %mul3A_89 = arith.mulf %mul3A_88, %sub3A_86 : vector<1x256xf32>
    %add3A_90 = arith.addf %add3A_74, %mul3A_89 : vector<1x256xf32>
    %mul3A_91 = arith.constant 0.00243902439 : f32
    %mul3A_92 = vector.broadcast %mul3A_91 : f32 to vector<1x256xf32>
    %mul3A_93 = arith.mulf %add3A_90, %mul3A_92 : vector<1x256xf32>
    %reshape3A = vector.shape_cast %mul3A_93 : vector<1x256xf32> to vector<1x1x256xf32>
    %swap3A = arith.constant 0 : index
    %swap3A_94 = arith.constant 0 : index
    %swap3A_95 = arith.constant 0 : index
    %swap3A_96 = vector.load %arg2[%swap3A, %swap3A_94, %swap3A_95] : memref<1x1x256xf32, #tpu.memory_space<vmem>>, vector<1x1x256xf32>
    tpu.vector_store %arg2[%swap3A, %swap3A_94, %swap3A_95], %reshape3A {strides = array<i32>} : memref<1x1x256xf32, #tpu.memory_space<vmem>>, vector<1x1x256xf32>,
    return
  }
  func.func @transform_0(%arg0: i32) -> (i32, i32) {
    %add3A = arith.constant 0 : i32
    %add3A_0 = arith.addi %arg0, %add3A : i32
    %c0_i32 = arith.constant 0 : i32
    %c0_i32_1 = arith.constant 0 : i32
    return %add3A_0, %c0_i32 : i32, i32
  }
  func.func @transform_1(%arg0: i32) -> (i32, i32, i32) {
    %c0_i32 = arith.constant 0 : i32
    %c0_i32_0 = arith.constant 0 : i32
    %c0_i32_1 = arith.constant 0 : i32
    return %arg0, %c0_i32, %c0_i32_0 : i32, i32, i32
  }
}

</mosaic_0001>

<sc_bundles>
// kernel: kernel.4.cloned.1.call-start
scs
__scs_entry_jumppad:
0x0: {  	(pc) =	sbr.rel $0x88, $3  }
0x1: {  	(tag) =	ssettag $0x0;
	lr =	simm.s32 $0x1  }
0x2: {  	[smem:$0x3FA0] =	sst lr;
	_ =	strace $0xD0000000  }
0x3: {  	_ = 	snop  }
0x4: {  	_ = 	snop  }
0x5: {  	_ = 	snop  }
0x6: {  	_ = 	snop  }
0x7: {  	_ = 	snop  }
__scs_overlays_trampoline_lowered:
0x8: {  	[smem:$0x3FAF] =	sst s0  }
0x9: {  	[smem:$0x3FB0] =	sst s1  }
0xa: {  	[smem:$0x3FB1] =	sst s2  }
0xb: {  	[smem:$0x3FB2] =	sst s3  }
0xc: {  	[smem:$0x3FB3] =	sst s4  }
0xd: {  	[smem:$0x3FB4] =	sst s5  }
0xe: {  	[smem:$0x3FB5] =	sst s6  }
0xf: {  	[smem:$0x3FB6] =	sst s7  }
0x10: {  	[smem:$0x3FB7] =	sst s8  }
0x11: {  	[smem:$0x3FB8] =	sst s9;
	s0 =	simm.s32 @!p0 $0x0  }
0x12: {  	s1 =	sld [smem:$0x3F9E];
	s0 =	simm.s32 @p0 $0x1  }
0x13: {  	[smem:$0x3FB9] =	sst s0;
	s0 =	simm.s32 @!p1 $0x0  }
0x14: {  	s2 =	sld [smem:$0x3F9D];
	s0 =	simm.s32 @p1 $0x1  }
0x15: {  	[smem:$0x3FBA] =	sst s0;
	s0 =	simm.s32 @!p2 $0x0  }
0x16: {  	s3 =	sld [smem:$0x3FDB];
	s0 =	simm.s32 @p2 $0x1  }
0x17: {  	s4 =	simm.s32 $0x1BF5;
	[smem:$0x3FBC] =	sst s0  }
0x18: {  	s0 =	sld [smem:$0x3F9F];
	_ =	swait.ge [sflag:s4], $0x0  }
0x19: {  	s7 =	sld [smem:$0x3FA0]  }
0x1a: {  	s8 =	sadd.s32 $0xFFFFE003, lr  }
0x1b: {  	s9 =	sadd.s32 $0xFFFFFEF7, lr;
	s5 =	simm.s32 $0xFFFFFFFF;
	p2 =	slt.u32 s8, $0xFFFFF086  }
0x1c: {  	p1 =	slt.u32 s9, $0xF7A;
	s5 =	simm.s32 @!p2 $0x0  }
0x1d: {  	s5 =	simm.s32 @p1 $0x1;
	p0 =	seq.s32 s7, s2  }
0x1e: {  	s7 =	smul.u32 @!p0 $0xF7A, s2;
	p2 =	seq.s32 @!p0 s5, $0x0  }
0x1f: {  	s9 =	smul.u32 $0xF7A, s1;
	s8 =	simm.s32 @!p0 $0x1BF5;
	p2 =	por !p2, p0  }
0x20: {  	[sflag:s8] =	ssyncset.s32 @!p0 $0xFFFFF086;
	s6 =	sadd.s32 @!p0 s3, s7;
	s7 =	simm.s32 @!p0 $0x108  }
0x21: {  	s3 =	sadd.s32 s3, s9;
	s6 =	sadd.s32 @!p0 $0x88, s6;
	s7 =	simm.s32 @p2 $0x1082  }
0x22: {  	[simem:s7], [sflag:s8] =	dma.local @!p0 [hbm:s6], $0xF7A  }
0x23: {  	s9 =	sor.u32 $0xD0000000, s2;
	s6 =	simm.s32 $0x108;
	_ =	swait.ge @!p0 [sflag:s8], $0x0  }
0x24: {  	s3 =	sadd.s32 $0x88, s3;
	s6 =	simm.s32 @!p1 $0x1082;
	[sflag:s4] =	ssyncset.s32 $0xFFFFF086  }
0x25: {  	[simem:s6], [sflag:s4] =	dma.local [hbm:s3], $0xF7A  }
0x26: {  	[smem:$0x3FA0] =	sst s1;
	(tag) =	ssettag s2;
	_ =	strace s9  }
0x27: {  	s1 =	sld [smem:$0x3FB0]  }
0x28: {  	s2 =	sld [smem:$0x3FB1]  }
0x29: {  	s4 =	sld [smem:$0x3FB3]  }
0x2a: {  	p0 =	seq.s32 s5, $0x0;
	s5 =	sld [smem:$0x3FB4]  }
0x2b: {  	s6 =	sld [smem:$0x3FB5]  }
0x2c: {  	s7 =	sld [smem:$0x3FB6]  }
0x2d: {  	s3 =	simm.s32 $0x108;
	s8 =	sld [smem:$0x3FB7]  }
0x2e: {  	s3 =	simm.s32 @!p0 $0x1082;
	s9 =	sld [smem:$0x3FB8]  }
0x2f: {  	lr =	sadd.s32 s0, s3;
	s0 =	sld [smem:$0x3FAF]  }
0x30: {  	s3 =	sld [smem:$0x3FB2]  }
0x31: {  	[smem:$0x3FBB] =	sst s10  }
0x32: {  	s10 =	sld [smem:$0x3FB9];
	_ =	sdelay $0x3  }
0x33: {  	p0 =	seq.s32 s10, $0x1;
	s10 =	sld [smem:$0x3FBB];
	_ =	sdelay $0x3  }
0x34: {  	[smem:$0x3FBB] =	sst s10  }
0x35: {  	s10 =	sld [smem:$0x3FBA];
	_ =	sdelay $0x3  }
0x36: {  	p1 =	seq.s32 s10, $0x1;
	s10 =	sld [smem:$0x3FBB];
	_ =	sdelay $0x3  }
0x37: {  	[smem:$0x3FBB] =	sst s10  }
0x38: {  	s10 =	sld [smem:$0x3FBC]  }
0x39: {  	_ = 	snop;
	(pc) =	sbr.ind lr, $3  }
0x3a: {  	_ = 	snop  }
0x3b: {  	_ = 	snop  }
0x3c: {  	p2 =	seq.s32 s10, $0x1;
	s10 =	sld [smem:$0x3FBB]  }
0x3d: {  	_ =	shalt  }
0x3e: {  	_ =	shalt  }
0x3f: {  	_ =	shalt  }
0x40: {  	_ =	shalt  }
0x41: {  	_ =	shalt  }
0x42: {  	_ =	shalt  }
0x43: {  	_ =	shalt  }
0x44: {  	_ =	shalt  }
0x45: {  	_ =	shalt  }
0x46: {  	_ =	shalt  }
0x47: {  	_ =	shalt  }
0x48: {  	_ =	shalt  }
0x49: {  	_ =	shalt  }
0x4a: {  	_ =	shalt  }
0x4b: {  	_ =	shalt  }
0x4c: {  	_ =	shalt  }
0x4d: {  	_ =	shalt  }
0x4e: {  	_ =	shalt  }
0x4f: {  	_ =	shalt  }
0x50: {  	_ =	shalt  }
0x51: {  	_ =	shalt  }
0x52: {  	_ =	shalt  }
0x53: {  	_ =	shalt  }
0x54: {  	_ =	shalt  }
0x55: {  	_ =	shalt  }
0x56: {  	_ =	shalt  }
0x57: {  	_ =	shalt  }
0x58: {  	_ =	shalt  }
0x59: {  	_ =	shalt  }
0x5a: {  	_ =	shalt  }
0x5b: {  	_ =	shalt  }
0x5c: {  	_ =	shalt  }
0x5d: {  	_ =	shalt  }
0x5e: {  	_ =	shalt  }
0x5f: {  	_ =	shalt  }
0x60: {  	_ =	shalt  }
0x61: {  	_ =	shalt  }
0x62: {  	_ =	shalt  }
0x63: {  	_ =	shalt  }
0x64: {  	_ =	shalt  }
0x65: {  	_ =	shalt  }
0x66: {  	_ =	shalt  }
0x67: {  	_ =	shalt  }
0x68: {  	_ =	shalt  }
0x69: {  	_ =	shalt  }
0x6a: {  	_ =	shalt  }
0x6b: {  	_ =	shalt  }
0x6c: {  	_ =	shalt  }
0x6d: {  	_ =	shalt  }
0x6e: {  	_ =	shalt  }
0x6f: {  	_ =	shalt  }
0x70: {  	_ =	shalt  }
0x71: {  	_ =	shalt  }
0x72: {  	_ =	shalt  }
0x73: {  	_ =	shalt  }
0x74: {  	_ =	shalt  }
0x75: {  	_ =	shalt  }
0x76: {  	_ =	shalt  }
0x77: {  	_ =	shalt  }
0x78: {  	_ =	shalt  }
0x79: {  	_ =	shalt  }
0x7a: {  	_ =	shalt  }
0x7b: {  	_ =	shalt  }
0x7c: {  	_ =	shalt  }
0x7d: {  	_ =	shalt  }
0x7e: {  	_ =	shalt  }
0x7f: {  	_ =	shalt  }
0x80: {  	_ =	shalt  }
0x81: {  	_ =	shalt  }
0x82: {  	_ =	shalt  }
0x83: {  	_ =	shalt  }
0x84: {  	_ =	shalt  }
0x85: {  	_ =	shalt  }
0x86: {  	_ =	shalt  }
0x87: {  	_ =	shalt  }
.Lfunc_end0:
.L_simem_size_0:
called_computation.1_lowered:
.L_overlay_start_0:
0x88: {  	s2 =	sld [smem:$0x3FD9]  }
0x89: {  	s3 =	sld [smem:$0x3FFE];
	_ =	sdelay $0x1  }
0x8a: {  	s1 =	srdreg.scid  }
0x8b: {  	s0 =	sand.u32 $0x1, s1  }
0x8c: {  	s17 =	sshll.u32 s0, $0xA;
	s2 =	sadd.s32 s3, s2  }
0x8d: {  	s2 =	sadd.s32 s2, s17  }
0x8e: {  	[smem:$0x3FC7] =	sst s2  }
0x8f: {  	_ = 	snop  }
0x90: {  	s18 =	sld [smem:$0x3FD0];
	(tm) =	ssettm $0x1  }
0x91: {  	s19 =	sld [smem:$0x3FFB];
	_ =	sdelay $0x3  }
0x92: {  	_ =	strace s19  }
0x93: {  	s2 =	sld [smem:$0x3FFC];
	_ =	sdelay $0x3  }
0x94: {  	_ =	strace s2  }
0x95: {  	s2 =	sld [smem:$0x3FFD];
	_ =	sdelay $0x3  }
0x96: {  	_ =	strace s2  }
0x97: {  	_ =	strace $0x8FFFFFFF  }
0x98: {  	s20 =	sld [smem:$0x3FDB];
	_ =	sdelay $0x1  }
0x99: {  	s4 =	simm.s32 $_scs_section_size  }
0x9a: {  	s5 =	simm.s32 $_size__tile_overlayer_lowered;
	s6 =	simm.s32 $_tile_overlayer_lowered  }
0x9b: {  	s7 =	simm.s32 $0x1BFF;
	s21 =	sshll.u32 s6, $0x1;
	s4 =	sadd.s32 s4, s20  }
0x9c: {  	s22 =	simm.s32 $0x0;
	s5 =	sshll.u32 s5, $0x1;
	s6 =	sadd.s32 s21, s4  }
0x9d: {  	[timem:s22], [sflag:s7] =	dma.local [hbm:s6], s5  }
0x9e: {  	_ =	swait.ge [sflag:s7], s5  }
0x9f: {  	s5 =	ssub.s32 $0x0, s5;
	[sflag:s7] =	ssyncset.done $0x0  }
0xa0: {  	[sflag:s7] =	ssyncadd.s32 s5;
	_ =	sdelay $0x1  }
0xa1: {  	s23 =	simm.s32 $0x1B8B  }
0xa2: {  	_ =	swait.ge [sflag:s23], $0x1  }
0xa3: {  	[sflag:s23] =	ssyncset.done $0x0  }
0xa4: {  	[sflag:s23] =	ssyncadd.s32 $0xFFFFFFFF  }
0xa5: {  	s5 =	sld [smem:$0x0]  }
0xa6: {  	s6 =	sand.u32 $0xFFFFFFFE, s1  }
0xa7: {  	p0 =	sne.s32 s1, s6  }
0xa8: {  	s6 =	sshll.u32 @p0 s6, $0xE  }
0xa9: {  	s6 =	sadd.s32 @p0 $0x11B8D, s6;
	s7 =	sshll.u32 @p0 s5, $0x11  }
0xaa: {  	s6 =	sor.u32 @p0 s7, s6  }
0xab: {  	[sflag:s6] =	ssyncadd.remote.s32 @p0 $0x1;
	_ =	sdelay $0x1  }
0xac: {  	s6 =	simm.s32 @p0 $0x1B8D  }
0xad: {  	_ =	swait.eq @p0 [sflag:s6], $0x1  }
0xae: {  	[sflag:s6] =	ssyncadd.s32 @p0 $0xFFFFFFFF  }
0xaf: {  	s7 =	sshll.u32 @!p0 s1, $0xE  }
0xb0: {  	s7 =	sor.u32 @!p0 $0x4000, s7;
	s6 =	simm.s32 @!p0 $0x1B8D  }
0xb1: {  	s5 =	sshll.u32 @!p0 s5, $0x11;
	s7 =	sadd.s32 @!p0 $0x11B8D, s7;
	_ =	swait.eq @!p0 [sflag:s6], $0x1  }
0xb2: {  	s5 =	sor.u32 @!p0 s5, s7;
	[sflag:s6] =	ssyncadd.s32 @!p0 $0xFFFFFFFF  }
0xb3: {  	s25 =	simm.s32 $0x1B8E;
	s24 =	sld [smem:$0x3FFE];
	[sflag:s5] =	ssyncadd.remote.s32 @!p0 $0x1  }
0xb4: {  	s26 =	simm.s32 $execute0_lowered;
	[smem:$0x3FD2] =	sst s25  }
0xb5: {  	s6 =	sshll.u32 s26, $0x1;
	_ =	strace $0x80000049;
	[dreg:$0x1] =	wrdreg $0xFFFFFFFF  }
0xb6: {  	s28 =	simm.s32 $_size_execute0_lowered;
	s4 =	sadd.s32 s4, s6;
	[dreg:$0x0] =	wrdreg $0x0  }
0xb7: {  	s6 =	sshll.u32 s28, $0x1;
	[dreg:$0x2] =	wrdreg s4  }
0xb8: {  	[dreg:$0x3] =	wrdreg s6  }
0xb9: {  	[dreg:$0x4] =	wrdreg $0xC0  }
0xba: {  	_ =	task [dreg:s22], $0x5FFFF  }
0xbb: {  	[dreg:$0x1] =	wrdreg $0xFFFFFFFF  }
0xbc: {  	[dreg:$0x0] =	wrdreg $0x60  }
0xbd: {  	[dreg:$0x2] =	wrdreg s24  }
0xbe: {  	[dreg:$0x3] =	wrdreg s18  }
0xbf: {  	[dreg:$0x4] =	wrdreg $0xA  }
0xc0: {  	_ =	task.clear_ibuf [dreg:s22], $0x5FFFF;
	_ =	strace $0x90000049  }
0xc1: {  	s29 =	simm.s32 $0xA;
	_ =	strace $0x8000004B  }
0xc2: {  	_ =	swait.ge [sflag:s29], $0x1  }
0xc3: {  	[sflag:s29] =	ssyncadd.s32 $0xFFFFFFFF  }
0xc4: {  	_ =	strace $0x9000004B  }
0xc5: {  	_ =	sfence  }
0xc6: {  	s30 =	sld [smem:$0x0];
	_ =	sdelay $0x2  }
0xc7: {  	s31 =	sshll.u32 s1, $0xD;
	s1 =	sshrl.u32 s1, $0x2  }
0xc8: {  	s4 =	sand.u32 $0x4000, s31;
	s1 =	sadd.s32 s1, s30  }
0xc9: {  	s0 =	sor.u32 s4, s0;
	s1 =	sshll.u32 s1, $0x11  }
0xca: {  	s0 =	sor.u32 s1, s0  }
0xcb: {  	s0 =	sadd.s32 $0x8F2B, s0  }
0xcc: {  	[sflag:s0] =	ssyncadd.remote.s32 $0x1  }
0xcd: {  	_ =	sfence.sel $0xFFFF  }
0xce: {  	[dreg:$0x0] =	wrdreg $0xFFFFFFFF;
	(pc) =	sbr.abs _section_cstart, $3  }
0xcf: {  	[dreg:$0x1] =	wrdreg $0xFFFFFFFF  }
0xd0: {  	_ =	task.clear_ibuf [dreg:s22], $0x2FFFF;
	_ =	strace $0x9FFFFFFF  }
0xd1: {  	(tm) =	ssettm $0x7FFFFFFF  }
tec
execute0_lowered:
.L_overlay_start_1:
0x0: {  	(tag) =	ssettag $0x1  }
0x1: {  	v0 =	vimm.s32 $0xEFCDAB89  }
0x2: {  	v1 =	vimm.s32 $0x67452301;
	v2 =	vimm.s32 $0xDCFE98BA;
	v3 =	vimm.s32 $0x54761032  }
0x3: {  	s6 =	rddreg [dreg:$0x0];
	v4 =	vimm.s32 $0xBA98FEDC;
	v5 =	vimm.s32 $0x32107654;
	v6 =	vimm.s32 $0xFEDCBA98  }
0x4: {  	s1 =	srdreg.scid;
	s0 =	stileid.u32;
	v7 =	vimm.s32 $0x76543210;
	v0 =	vunpack.c.l.s4.s8 v0;
	v1 =	vunpack.c.l.s4.s8 v1  }
0x5: {  	s7 =	rddreg [dreg:$0x1];
	s2 =	simm.s32 $0x0;
	s10 =	simm.s32 $0x8180;
	v2 =	vunpack.c.l.s4.s8 v2;
	v3 =	vunpack.c.l.s4.s8 v3;
	v4 =	vunpack.c.l.s4.s8 v4  }
0x6: {  	s11 =	simm.s32 $0x1;
	s12 =	simm.s32 $0x40000000;
	s13 =	simm.s32 $0x8000;
	v5 =	vunpack.c.l.s4.s8 v5;
	v6 =	vunpack.c.l.s4.s8 v6;
	v0 =	vunpack.c.0.s8.s32 v0  }
0x7: {  	s3 =	sand.u32 $0x1, s1;
	s4 =	sshll.u32 s0, $0x1;
	s1 =	rddreg [dreg:$0x2];
	v1 =	vunpack.c.0.s8.s32 v1;
	v2 =	vunpack.c.0.s8.s32 v2;
	v3 =	vunpack.c.0.s8.s32 v3  }
0x8: {  	s14 =	simm.s32 $0x0;
	[smem:$0x7FF] =	sst s2;
	v7 =	vunpack.c.l.s4.s8 v7;
	s4 =	sor.u32 s3, s4;
	v4 =	vunpack.c.0.s8.s32 v4;
	v5 =	vunpack.c.0.s8.s32 v5  }
0x9: {  	s5 =	sadd.s32 $0xCC0E00, s6;
	s8 =	ssub.s32 $0x2, s3;
	s3 =	smul.u32 $0xC0, s4;
	v1 =	vcombine.low v1, v0;
	v2 =	vcombine.low v3, v2;
	v3 =	vunpack.c.0.s8.s32 v6  }
0xa: {  	_ =	strace $0x8000004A;
	s4 =	sadd.s32 $0xC00C00, s6;
	s9 =	sshrl.u32 s8, $0x1;
	v4 =	vcombine.low v5, v4;
	v0 =	vimm.s32 $0x0;
	v5 =	vunpack.c.0.s8.s32 v7  }
0xb: {  	s6 =	sadd.s32 $0xCC0C00, s6;
	s8 =	ssub.s32 s8, s9;
	s31 =	sshrl.u32 s3, $0x3;
	v1 =	vand.u32 $0xF, v1;
	v2 =	vand.u32 $0xF, v2;
	v6 =	vand.u32 $0xF, v3  }
0xc: {  	s9 =	simm.s32 $0x8100;
	s8 =	smax.u32 s8, $0x1;
	s7 =	sadd.s32 s7, s31;
	v3 =	vand.u32 $0xF, v4;
	v4 =	vcombine.low v6, v5;
	v5 =	vlaneseq.u32  }
.LBB2_1:
0xd: {  	[tilespmem:s9], [sflag:$0x1] =	stream.linear.gather [hbm4b:s5+s2], $0x1, $0x38;
	[tilespmem:$0x8200] =	vst v63  }
0xe: {  	_ = 	snop  }
0xf: {  	[tilespmem:s10], [sflag:$0x1] =	stream.linear.gather [hbm4b:s6+s2], $0x1, $0x38;
	[tilespmem:$0x8200] =	vst v63  }
0x10: {  	_ =	swait.ge [sflag:s11], $0x1  }
0x11: {  	[sflag:s11] =	ssyncset.done $0x0  }
0x12: {  	[sflag:s11] =	ssyncadd.s32 $0xFFFFFFFF  }
0x13: {  	_ =	swait.ge [sflag:s11], $0x1  }
0x14: {  	[sflag:s11] =	ssyncset.done $0x0  }
0x15: {  	[sflag:s11] =	ssyncadd.s32 $0xFFFFFFFF  }
0x16: {  	v6 =	vld.msk [tilespmem:$0x8100 ss:$0x0], $0xffff  }
0x17: {  	s15 =	simm.s32 $0x0;
	v7 =	vld.msk [tilespmem:$0x8180 ss:$0x0], $0xffff  }
.LBB2_2:
0x18: {  	s16 =	sshll.u32 s15, $0x4  }
0x19: {  	s17 =	sadd.s32 s3, s16  }
0x1a: {  	s17 =	sshll.u32 s17, $0x7  }
0x1b: {  	s19 =	simm.s32 $0x0;
	s18 =	sadd.s32 s4, s17;
	s17 =	simm.s32 $0x0  }
0x1c: {  	[tilespmem:s17], [sflag:$0x1] =	stream.linear.gather [hbm4b:s18+s17], $0x4000, $0x38;
	[tilespmem:$0x8200] =	vst v63  }
0x1d: {  	s21 =	simm.s32 $0x0;
	s26 =	sand.u32 $0x70, s17;
	s20 =	sand.u32 $0x1C00, s17  }
0x1e: {  	s19 =	sand.u32 $0x2000, s19;
	_ =	swait.ge [sflag:s11], $0x4000;
	s18 =	sor.u32 s20, s26  }
0x1f: {  	s28 =	sand.u32 $0x380, s21;
	[sflag:s11] =	ssyncset.done $0x0;
	s18 =	sor.u32 s19, s18  }
0x20: {  	[sflag:s11] =	ssyncadd.s32 $0xFFFFC000;
	s18 =	sor.u32 s28, s18  }
0x21: {  	v9 =	vld [tilespmem:s18+$0x0]  }
0x22: {  	s29 =	simm.s32 $0x10;
	s19 =	simm.s32 $0x80  }
0x23: {  	s30 =	simm.s32 $0x10;
	s20 =	sand.u32 $0x70, s29;
	s22 =	sand.u32 $0x1C00, s19  }
0x24: {  	s23 =	simm.s32 $0x2;
	s21 =	sand.u32 $0x2000, s30;
	s20 =	sor.u32 s22, s20  }
0x25: {  	s31 =	sand.u32 $0x380, s23;
	s20 =	sor.u32 s21, s20  }
0x26: {  	s22 =	sor.u32 s31, s20;
	v10 =	vxor.u32 $0x7FFFFFFF, v9;
	vm0 =	vlt.s32 v9, $0x0  }
0x27: {  	s21 =	simm.s32 $0x20;
	s20 =	simm.s32 $0x2;
	v8 =	vld [tilespmem:s22+$0x0];
	v9 =	vsel vm0, v10, v9  }
.LBB2_3:
0x28: {  	s23 =	sand.u32 $0x70, s21;
	s24 =	sshll.u32 s20, $0x4;
	s19 =	sadd.s32 $0x80, s19  }
0x29: {  	[tilespmem:s18+$0x4000] =	vst v9;
	s25 =	smov.u32 s20;
	s18 =	smov.u32 s22;
	p0 =	sne.s32 s20, $0x3FF  }
.Ltmp0:
0x2a: {  	s20 =	sadd.s32 $0x1, s20;
	s22 =	sand.u32 $0x1C00, s19;
	(pc) =	sbr.rel @p0 .LBB2_3-.Ltmp0, $4  }
0x2b: {  	s24 =	sand.u32 $0x2000, s24;
	s25 =	sshll.u32 s25, $0x1;
	s22 =	sor.u32 s22, s23  }
0x2c: {  	s23 =	sand.u32 $0x380, s25;
	s22 =	sor.u32 s24, s22  }
0x2d: {  	s22 =	sor.u32 s23, s22;
	v9 =	vxor.u32 $0x7FFFFFFF, v8;
	vm0 =	vlt.s32 v8, $0x0  }
0x2e: {  	s21 =	sadd.s32 $0x10, s21;
	v9 =	vsel vm0, v9, v8;
	v8 =	vld [tilespmem:s22+$0x0]  }
0x2f: {  	_ =	sdelay $0x3  }
0x30: {  	v10 =	vxor.u32 $0x7FFFFFFF, v8;
	vm0 =	vlt.s32 v8, $0x0  }
0x31: {  	[tilespmem:s18+$0x4000] =	vst v9;
	v8 =	vsel vm0, v10, v8  }
0x32: {  	[tilespmem:s22+$0x4000] =	vst v8;
	v8 =	vimm.f32 $0.0e+00  }
.LBB2_5:
0x33: {  	s18 =	sshll.u32 s17, $0xA;
	s19 =	sshll.u32 s17, $0x7  }
0x34: {  	s18 =	sand.u32 $0x2000, s18;
	s19 =	sand.u32 $0x380, s19  }
0x35: {  	s21 =	simm.s32 $0x0;
	s20 =	sor.u32 s19, s18  }
0x36: {  	s22 =	sand.u32 $0x1C00, s21;
	s20 =	sor.u32 $0x4000, s20  }
0x37: {  	s21 =	sand.u32 $0x70, s21;
	s22 =	sadd.s32 s22, s20  }
0x38: {  	s22 =	sadd.s32 s21, s22  }
0x39: {  	v11 =	vld [tilespmem:s22+$0x0]  }
0x3a: {  	v9 =	vimm.s32 $0x0;
	v10 =	vimm.s32 $0x0;
	s21 =	simm.s32 $0x10;
	s22 =	simm.s32 $0x80  }
.LBB2_6:
0x3b: {  	s23 =	sand.u32 $0x1C00, s22  }
0x3c: {  	p0 =	sne.s32 s21, $0x3F0;
	s24 =	smov.u32 s21;
	s21 =	sadd.s32 $0x10, s21  }
.Ltmp1:
0x3d: {  	s24 =	sand.u32 $0x70, s24;
	s23 =	sadd.s32 s23, s20;
	(pc) =	sbr.rel @p0 .LBB2_6-.Ltmp1, $4  }
0x3e: {  	s23 =	sadd.s32 s24, s23;
	vm0 =	vgt.s32 v11, $0xFFFFFFFF;
	v12 =	vshrl.u32 v11, $0x1F  }
0x3f: {  	v11 =	vld [tilespmem:s23+$0x0];
	v13 =	vsel vm0, $0x1, v0;
	v9 =	vadd.s32 v9, v12  }
0x40: {  	v10 =	vadd.s32 v13, v10  }
0x41: {  	s22 =	sadd.s32 $0x80, s22  }
0x42: {  	_ =	sdelay $0x1  }
0x43: {  	vm0 =	vgt.s32 v11, $0xFFFFFFFF  }
0x44: {  	v11 =	vshrl.u32 v11, $0x1F;
	v12 =	vsel vm0, $0x1, v0  }
0x45: {  	v9 =	vadd.s32 v9, v11;
	v10 =	vadd.s32 v12, v10  }
0x46: {  	v63 =	vperm.xlane v9, v1;
	v11 =	vperm.xlane v10, v1;
	_ =	sdelay $0x1  }
0x47: {  	v9 =	vadd.s32 v9, v63;
	v10 =	vadd.s32 v10, v11  }
0x48: {  	v12 =	vperm.xlane v9, v2;
	v11 =	vperm.xlane v10, v2;
	_ =	sdelay $0x1  }
0x49: {  	v9 =	vadd.s32 v12, v9;
	v10 =	vadd.s32 v11, v10  }
0x4a: {  	v12 =	vperm.xlane v9, v3;
	v11 =	vperm.xlane v10, v3;
	_ =	sdelay $0x1  }
0x4b: {  	v9 =	vadd.s32 v12, v9;
	v10 =	vadd.s32 v11, v10  }
0x4c: {  	v12 =	vperm.xlane v9, v4;
	v11 =	vperm.xlane v10, v4;
	_ =	sdelay $0x1  }
0x4d: {  	v9 =	vadd.s32 v12, v9;
	v10 =	vadd.s32 v11, v10  }
0x4e: {  	vm1 =	vlt.s32 v9, v6;
	vm15 =	vlt.s32 v10, v6  }
0x4f: {  	s21 =	simm.s32 $0x0;
	s22 =	simm.s32 $0x0;
	v9 =	vnsel vm1, $0x0, v7;
	v10 =	vnsel vm15, $0x0, v7  }
.LBB2_8:
0x50: {  	s23 =	sand.u32 $0x1C00, s21  }
0x51: {  	s25 =	sand.u32 $0x70, s21;
	s23 =	sadd.s32 s23, s20  }
0x52: {  	s24 =	sshrl.u32 s12, s22;
	s31 =	sadd.s32 s25, s23  }
0x53: {  	v13 =	vimm.s32 $0x0;
	v12 =	vadd.s32 s24, v9;
	v16 =	vld [tilespmem:s31+$0x0]  }
0x54: {  	v15 =	vimm.s32 $0x0;
	v11 =	vadd.s32 s24, v10;
	s24 =	simm.s32 $0x80;
	v14 =	vxor.u32 $0xFFFFFFFF, v12;
	s23 =	simm.s32 $0x10  }
.LBB2_9:
0x55: {  	s25 =	sand.u32 $0x1C00, s24  }
0x56: {  	p0 =	sne.s32 s23, $0x3F0;
	s26 =	smov.u32 s23;
	s23 =	sadd.s32 $0x10, s23  }
.Ltmp2:
0x57: {  	s26 =	sand.u32 $0x70, s26;
	s25 =	sadd.s32 s25, s20;
	(pc) =	sbr.rel @p0 .LBB2_9-.Ltmp2, $4  }
0x58: {  	s25 =	sadd.s32 s26, s25;
	vm0 =	vge.s32 v16, v11;
	vm1 =	vle.s32 v16, v14  }
0x59: {  	v16 =	vld [tilespmem:s25+$0x0];
	v17 =	vsel vm0, $0x1, v0;
	v18 =	vsel vm1, $0x1, v0  }
0x5a: {  	v13 =	vadd.s32 v17, v13;
	v15 =	vadd.s32 v18, v15  }
0x5b: {  	s24 =	sadd.s32 $0x80, s24  }
0x5c: {  	_ =	sdelay $0x1  }
0x5d: {  	vm0 =	vge.s32 v16, v11;
	vm1 =	vle.s32 v16, v14  }
0x5e: {  	v61 =	vsel vm0, $0x1, v0;
	v16 =	vsel vm1, $0x1, v0  }
0x5f: {  	v13 =	vadd.s32 v61, v13;
	v62 =	vadd.s32 v16, v15  }
0x60: {  	v63 =	vperm.xlane v13, v1;
	v16 =	vperm.xlane v62, v1;
	_ =	sdelay $0x1  }
0x61: {  	v13 =	vadd.s32 v13, v63;
	v14 =	vadd.s32 v62, v16  }
0x62: {  	v15 =	vperm.xlane v13, v2;
	v16 =	vperm.xlane v14, v2;
	_ =	sdelay $0x1  }
0x63: {  	v13 =	vadd.s32 v15, v13;
	v14 =	vadd.s32 v16, v14  }
0x64: {  	v15 =	vperm.xlane v13, v3;
	v16 =	vperm.xlane v14, v3  }
0x65: {  	s22 =	sadd.s32 $0x1, s22  }
0x66: {  	p0 =	sne.s32 s22, $0x1F;
	v13 =	vadd.s32 v15, v13;
	v14 =	vadd.s32 v16, v14  }
.Ltmp3:
0x67: {  	v15 =	vperm.xlane v13, v4;
	v16 =	vperm.xlane v14, v4;
	(pc) =	sbr.rel @p0 .LBB2_8-.Ltmp3, $4  }
0x68: {  	_ = 	snop  }
0x69: {  	v13 =	vadd.s32 v15, v13;
	v14 =	vadd.s32 v16, v14  }
0x6a: {  	vm14 =	vlt.s32 v13, v6;
	vm15 =	vlt.s32 v14, v6  }
0x6b: {  	v10 =	vsel vm14, v10, v11;
	v9 =	vsel vm15, v9, v12  }
0x6c: {  	s20 =	simm.s32 $0x0  }
0x6d: {  	s18 =	sadd.s32 s19, s18;
	s31 =	sand.u32 $0x1C00, s20  }
0x6e: {  	s20 =	sand.u32 $0x70, s20;
	s19 =	sadd.s32 s31, s18  }
0x6f: {  	v11 =	vxor.u32 $0x7FFFFFFF, v10;
	vm0 =	vlt.s32 v10, $0x0;
	v12 =	vshra.s32 v9, $0x1F;
	s20 =	sadd.s32 s20, s19  }
0x70: {  	v10 =	vsel vm0, v11, v10;
	v11 =	vor.u32 $0x80000000, v12;
	v13 =	vld [tilespmem:s20+$0x0]  }
0x71: {  	v12 =	vimm.f32 $0.0e+00;
	v9 =	vxor.u32 v9, v11;
	v11 =	vimm.f32 $0.0e+00;
	s19 =	simm.s32 $0x10;
	s20 =	simm.s32 $0x80  }
.LBB2_12:
0x72: {  	s21 =	sand.u32 $0x1C00, s20  }
0x73: {  	p0 =	sne.s32 s19, $0x3F0;
	s22 =	smov.u32 s19;
	s19 =	sadd.s32 $0x10, s19  }
.Ltmp4:
0x74: {  	s22 =	sand.u32 $0x70, s22;
	s21 =	sadd.s32 s21, s18;
	(pc) =	sbr.rel @p0 .LBB2_12-.Ltmp4, $4  }
0x75: {  	s21 =	sadd.s32 s22, s21;
	v14 =	vsub.f32 v13, v10;
	v15 =	vsub.f32 v9, v13  }
0x76: {  	v13 =	vld [tilespmem:s21+$0x0]  }
0x77: {  	v14 =	vmax.f32 v14, $0.0e+00;
	v15 =	vmax.f32 v15, $0.0e+00  }
0x78: {  	s20 =	sadd.s32 $0x80, s20;
	v11 =	vadd.f32 v14, v11;
	v12 =	vadd.f32 v15, v12  }
0x79: {  	_ =	sdelay $0x1  }
0x7a: {  	v14 =	vsub.f32 v9, v13;
	_ =	sdelay $0x1  }
0x7b: {  	v61 =	vsub.f32 v13, v10;
	v14 =	vmax.f32 v14, $0.0e+00  }
0x7c: {  	v12 =	vadd.f32 v14, v12  }
0x7d: {  	v13 =	vmax.f32 v61, $0.0e+00  }
0x7e: {  	v11 =	vadd.f32 v13, v11;
	v62 =	vperm.xlane v12, v1;
	_ =	sdelay $0x1  }
0x7f: {  	v63 =	vperm.xlane v11, v1;
	v12 =	vadd.f32 v62, v12;
	_ =	sdelay $0x1  }
0x80: {  	v11 =	vadd.f32 v63, v11;
	v13 =	vperm.xlane v12, v2;
	_ =	sdelay $0x1  }
0x81: {  	v14 =	vperm.xlane v11, v2;
	v12 =	vadd.f32 v13, v12;
	_ =	sdelay $0x1  }
0x82: {  	v11 =	vadd.f32 v14, v11;
	v13 =	vperm.xlane v12, v3;
	_ =	sdelay $0x1  }
0x83: {  	v14 =	vperm.xlane v11, v3;
	v12 =	vadd.f32 v13, v12;
	_ =	sdelay $0x1  }
0x84: {  	v11 =	vadd.f32 v14, v11;
	v13 =	vperm.xlane v12, v4;
	_ =	sdelay $0x1  }
0x85: {  	v9 =	vmul.f32 $2.050000000e+02, v9;
	v14 =	vperm.xlane v11, v4;
	v12 =	vadd.f32 v13, v12;
	_ =	sdelay $0x1  }
0x86: {  	v10 =	vmul.f32 $2.050000000e+02, v10;
	v11 =	vadd.f32 v14, v11;
	v9 =	vsub.f32 v9, v12;
	_ =	sdelay $0x1  }
0x87: {  	v10 =	vadd.f32 v11, v10;
	v9 =	vmul.f32 $6.999999880e-01, v9;
	_ =	sdelay $0x1  }
0x88: {  	v9 =	vadd.f32 v9, v10;
	v10 =	vmov s17;
	s17 =	sadd.s32 $0x1, s17  }
0x89: {  	p0 =	sne.s32 s17, $0x10  }
.Ltmp5:
0x8a: {  	_ = 	snop;
	(pc) =	sbr.rel @p0 .LBB2_5-.Ltmp5, $4  }
0x8b: {  	_ = 	snop  }
0x8c: {  	v9 =	vmul.f32 $2.439024390e-03, v9  }
0x8d: {  	vm0 =	veq.s32 v10, v5  }
0x8e: {  	v8 =	vsel vm0, v9, v8  }
0x8f: {  	s15 =	sadd.s32 $0x1, s15  }
0x90: {  	p0 =	sne.s32 s15, $0xC  }
.Ltmp6:
0x91: {  	_ = 	snop;
	(pc) =	sbr.rel @p0 .LBB2_2-.Ltmp6, $2  }
0x92: {  	_ =	sdelay $0x2  }
0x93: {  	[tilespmem:s16+$0x8000] =	vst v8  }
0x94: {  	s14 =	sadd.s32 $0x1, s14  }
0x95: {  	p0 =	sne.s32 s14, s8  }
.Ltmp7:
0x96: {  	_ = 	snop;
	(pc) =	sbr.rel @p0 .LBB2_1-.Ltmp7, $4  }
0x97: {  	[hbm4b:s7+s2] =	stream.linear.scatter [tilespmem:s13], [sflag:$0x1], $0xC0, $0x38;
	[tilespmem:$0x8200] =	vst v63  }
0x98: {  	_ =	swait.ge [sflag:s11], $0xC0  }
0x99: {  	[sflag:s11] =	ssyncset.done $0x0  }
0x9a: {  	[sflag:s11] =	ssyncadd.s32 $0xFFFFFF40  }
0x9b: {  	_ =	sfence.sel $0x180000  }
0x9c: {  	[bflag:$0x0] =	sbarrier.arrive $0xFFFF  }
0x9d: {  	p0 =	sne.s32 s0, $0x0;
	_ =	strace $0x9000004A  }
0x9e: {  	s0 =	sadd.s32 @!p0 $0x100000, s1;
	[bflag:$0x2] =	sbarrier.arrive $0xFFFF  }
0x9f: {  	[sflag:s0] =	ssyncadd.tile.s32 @!p0 $0x1;
	_ =	shalt  }
.Lfunc_end2:
_tile_overlayer_lowered:
.L_overlay_start_2:
0xa0: {  	(tag) =	ssettag $0x2  }
0xa1: {  	s0 =	rddreg [dreg:$0x0];
	s2 =	stileid.u32  }
0xa2: {  	s1 =	rddreg [dreg:$0x1];
	p0 =	sne.s32 s2, $0x0  }
0xa3: {  	s3 =	rddreg [dreg:$0x2];
	[bflag:$0x3] =	sbarrier.arrive $0xFFFF;
	s2 =	simm.s32 @!p0 $0x1C01  }
0xa4: {  	[timem:s3], [sflag:s2] =	dma.local @!p0 [hbm:s0], s1  }
0xa5: {  	s0 =	simm.s32 @!p0 $0x1  }
0xa6: {  	_ =	swait.ge @!p0 [sflag:s0], s1  }
0xa7: {  	s1 =	ssub.s32 @!p0 $0x0, s1;
	[sflag:s0] =	ssyncset.done @!p0 $0x0  }
0xa8: {  	[sflag:s0] =	ssyncadd.s32 @!p0 s1  }
0xa9: {  	[bflag:$0x3] =	sbarrier.arrive $0xFFFF  }
0xaa: {  	_ =	shalt  }

// kernel: sparse-core-data-format-call.cloned.1.call-start
scs
called_computation_lowered:
.L_overlay_start_0:
0x0: {  	s1 =	sld [smem:$0x3FD9]  }
0x1: {  	s2 =	sld [smem:$0x3FFE];
	_ =	sdelay $0x1  }
0x2: {  	s3 =	srdreg.scid  }
0x3: {  	s0 =	sand.u32 $0x1, s3  }
0x4: {  	s17 =	sshll.u32 s0, $0xA;
	s1 =	sadd.s32 s2, s1  }
0x5: {  	s1 =	sadd.s32 s1, s17  }
0x6: {  	[smem:$0x3FC7] =	sst s1  }
0x7: {  	_ = 	snop  }
0x8: {  	(tm) =	ssettm $0x1  }
0x9: {  	s18 =	sld [smem:$0x3FFB];
	_ =	sdelay $0x3  }
0xa: {  	_ =	strace s18  }
0xb: {  	s1 =	sld [smem:$0x3FFC];
	_ =	sdelay $0x3  }
0xc: {  	_ =	strace s1  }
0xd: {  	s1 =	sld [smem:$0x3FFD];
	_ =	sdelay $0x3  }
0xe: {  	_ =	strace s1  }
0xf: {  	_ =	strace $0x8FFFFFFF  }
0x10: {  	s19 =	sld [smem:$0x3FDB];
	_ =	sdelay $0x1  }
0x11: {  	s20 =	simm.s32 $_scs_section_size  }
0x12: {  	s4 =	simm.s32 $_size__tile_overlayer_lowered;
	s5 =	simm.s32 $_tile_overlayer_lowered  }
0x13: {  	s23 =	simm.s32 $0x1BFF;
	s22 =	sshll.u32 s5, $0x1;
	s1 =	sadd.s32 s20, s19  }
0x14: {  	s6 =	simm.s32 $0x0;
	s21 =	sshll.u32 s4, $0x1;
	s4 =	sadd.s32 s22, s1  }
0x15: {  	[timem:s6], [sflag:s23] =	dma.local [hbm:s4], s21  }
0x16: {  	_ =	swait.ge [sflag:s23], s21  }
0x17: {  	s2 =	ssub.s32 $0x0, s21;
	[sflag:s23] =	ssyncset.done $0x0  }
0x18: {  	[sflag:s23] =	ssyncadd.s32 s2;
	_ =	sdelay $0x1  }
0x19: {  	s24 =	simm.s32 $0x1B8B  }
0x1a: {  	_ =	swait.ge [sflag:s24], $0x1  }
0x1b: {  	[sflag:s24] =	ssyncset.done $0x0  }
0x1c: {  	s26 =	simm.s32 $0x1B8E;
	s25 =	sld [smem:$0x3FFE];
	[sflag:s24] =	ssyncadd.s32 $0xFFFFFFFF  }
0x1d: {  	s27 =	simm.s32 $execute0_lowered;
	[smem:$0x3FD2] =	sst s26  }
0x1e: {  	s4 =	sshll.u32 s27, $0x1;
	_ =	strace $0x80000046;
	[dreg:$0x1] =	wrdreg $0xFFFFFFFF  }
0x1f: {  	s28 =	simm.s32 $_size_execute0_lowered;
	s1 =	sadd.s32 s1, s4;
	[dreg:$0x0] =	wrdreg $0x0  }
0x20: {  	s4 =	sshll.u32 s28, $0x1;
	[dreg:$0x2] =	wrdreg s1  }
0x21: {  	[dreg:$0x3] =	wrdreg s4  }
0x22: {  	[dreg:$0x4] =	wrdreg $0xC0  }
0x23: {  	_ =	task [dreg:s6], $0x5FFFF  }
0x24: {  	[dreg:$0x1] =	wrdreg $0xFFFFFFFF  }
0x25: {  	[dreg:$0x0] =	wrdreg $0x60  }
0x26: {  	[dreg:$0x2] =	wrdreg s25  }
0x27: {  	[dreg:$0x3] =	wrdreg $0x9  }
0x28: {  	_ =	task.clear_ibuf [dreg:s6], $0x4FFFF;
	_ =	strace $0x90000046  }
0x29: {  	s29 =	simm.s32 $0x9;
	_ =	strace $0x80000048  }
0x2a: {  	_ =	swait.ge [sflag:s29], $0x1  }
0x2b: {  	[sflag:s29] =	ssyncadd.s32 $0xFFFFFFFF  }
0x2c: {  	_ =	strace $0x90000048  }
0x2d: {  	_ =	sfence  }
0x2e: {  	s30 =	sld [smem:$0x0];
	_ =	sdelay $0x2  }
0x2f: {  	s31 =	sshll.u32 s3, $0xD;
	s3 =	sshrl.u32 s3, $0x2  }
0x30: {  	s2 =	sand.u32 $0x4000, s31;
	s1 =	sadd.s32 s3, s30  }
0x31: {  	s0 =	sor.u32 s2, s0;
	s1 =	sshll.u32 s1, $0x11  }
0x32: {  	s0 =	sor.u32 s1, s0  }
0x33: {  	s0 =	sadd.s32 $0x8F2B, s0  }
0x34: {  	[sflag:s0] =	ssyncadd.remote.s32 $0x1  }
0x35: {  	_ =	sfence.sel $0xFFFF  }
0x36: {  	[dreg:$0x0] =	wrdreg $0xFFFFFFFF;
	(pc) =	sbr.abs _section_cstart, $3  }
0x37: {  	[dreg:$0x1] =	wrdreg $0xFFFFFFFF  }
0x38: {  	_ =	task.clear_ibuf [dreg:s6], $0x2FFFF;
	_ =	strace $0x9FFFFFFF  }
0x39: {  	(tm) =	ssettm $0x7FFFFFFF  }
tec
execute0_lowered:
.L_overlay_start_1:
0x0: {  	(tag) =	ssettag $0x1  }
0x1: {  	s1 =	rddreg [dreg:$0x0]  }
0x2: {  	s0 =	rddreg [dreg:$0x1];
	_ =	strace $0x80000047  }
0x3: {  	s4 =	srdreg.scid;
	s6 =	simm.s32 $0x2;
	s13 =	simm.s32 $0x0  }
0x4: {  	p0 =	por $0x0, $0x0;
	s12 =	simm.s32 $0x0;
	s15 =	simm.s32 $0x0  }
0x5: {  	s14 =	simm.s32 $0x0;
	s8 =	simm.s32 $0x0;
	s9 =	simm.s32 $0x0  }
.Ltmp0:
0x6: {  	s10 =	simm.s32 $0x0;
	s7 =	simm.s32 $0x0;
	(pc) =	sbr.rel .LBB1_1-.Ltmp0, $4  }
0x7: {  	s2 =	sadd.s32 $0xC00, s1;
	s3 =	sadd.s32 $0x600C00, s1;
	s5 =	sshll.u32 s4, $0x4  }
0x8: {  	s1 =	stileid.u32;
	s4 =	simm.s32 $0x1;
	s5 =	sand.u32 $0x10, s5  }
0x9: {  	s22 =	simm.s32 $0x0;
	[sflag:s4] =	ssyncpa.u1 $0x0;
	s5 =	sor.u32 s1, s5  }
0xa: {  	[sflag:s6] =	ssyncpa.u1 $0x0;
	s6 =	simm.s32 $0x1800;
	s11 =	smov.u32 s5  }
.LBB1_7:
0xb: {  	s16 =	sadd.s32 $0x80, s8  }
0xc: {  	s12 =	sadd.s32 $0x40, s9;
	s17 =	smov.u32 s9;
	p2 =	sgt.s32 s16, $0x2FF  }
0xd: {  	s17 =	smov.u32 @p2 s12  }
0xe: {  	s18 =	smov.u32 s10;
	s12 =	sadd.s32 $0x2, s10;
	p3 =	sgt.s32 s17, $0x3F  }
0xf: {  	s18 =	smov.u32 @p3 s12  }
0x10: {  	s19 =	smov.u32 s11;
	s12 =	sadd.s32 $0x20, s11;
	p4 =	sgt.s32 s18, $0x7  }
0x11: {  	p1 =	slt.u32 s7, $0x2;
	s19 =	smov.u32 @p4 s12  }
0x12: {  	s7 =	sadd.s32 $0x1, s7;
	s16 =	simm.s32 @p2 $0x0;
	p2 =	sgt.s32 s19, $0x7F  }
0x13: {  	s13 =	smov.u32 s8;
	s19 =	smov.u32 @p2 s5;
	p2 =	sne.s32 s7, $0x62  }
.Ltmp1:
0x14: {  	s15 =	smov.u32 s10;
	s20 =	simm.s32 @!p1 $0x2;
	(pc) =	sbr.rel @!p2 .LBB1_8-.Ltmp1, $4  }
0x15: {  	s14 =	smov.u32 s11;
	p0 =	por !p0, !p0;
	_ =	swait.ge @!p1 [sflag:s20], $0x4000  }
0x16: {  	[sflag:s20] =	ssyncset.done @!p1 $0x0;
	s8 =	smov.u32 s16;
	s17 =	simm.s32 @p3 $0x0  }
0x17: {  	[sflag:s20] =	ssyncadd.s32 @!p1 $0xFFFFC000;
	s18 =	simm.s32 @p4 $0x0;
	s12 =	smov.u32 s9  }
0x18: {  	s9 =	smov.u32 s17;
	s10 =	smov.u32 s18;
	s11 =	smov.u32 s19  }
.LBB1_1:
0x19: {  	p1 =	sgt.u32 s7, $0x5F  }
0x1a: {  	s16 =	sshrl.u32 @!p1 s9, $0x3  }
0x1b: {  	s17 =	sshll.u32 @!p1 s8, $0x3;
	s16 =	smul.u32 @!p1 $0x1800, s16  }
0x1c: {  	s18 =	sshll.u32 @!p1 s9, $0x7;
	s17 =	sand.u32 @!p1 $0xFFFFFC00, s17  }
0x1d: {  	s16 =	sadd.s32 @!p1 s16, s17;
	s17 =	sand.u32 @!p1 $0x380, s18  }
0x1e: {  	s18 =	sand.u32 @!p1 $0x7F, s8;
	s16 =	sor.u32 @!p1 s17, s16  }
0x1f: {  	s17 =	sor.u32 @!p1 s18, s16  }
0x20: {  	s18 =	smulhi.u32 @!p1 $0xAAAAAAAB, s17  }
0x21: {  	s16 =	smulhi.u32 @!p1 $0xAAAAAAAB, s16  }
0x22: {  	s20 =	smul.u32 @!p1 $0xC000, s11;
	s18 =	sshrl.u32 @!p1 s18, $0x9  }
0x23: {  	s19 =	sxor.u32 @!p1 $0xFFFFFFFF, s7;
	s16 =	sshrl.u32 @!p1 s16, $0x9;
	s18 =	smul.u32 @!p1 $0x300, s18  }
0x24: {  	s21 =	smul.u32 @!p1 $0x1800, s10;
	s19 =	sshll.u32 @!p1 s19, $0xE;
	s16 =	sand.u32 @!p1 $0x3F, s16  }
0x25: {  	s16 =	smul.u32 @!p1 $0x60, s16;
	s17 =	ssub.s32 @!p1 s17, s18;
	s18 =	sadd.s32 @!p1 s2, s20  }
0x26: {  	s19 =	sand.u32 @!p1 $0x4000, s19;
	s18 =	sadd.s32 @!p1 s21, s18;
	s20 =	sand.u32 @!p1 $0x7, s17  }
0x27: {  	s17 =	sshrl.u32 @!p1 s17, $0x3;
	s16 =	sadd.s32 @!p1 s16, s18;
	s18 =	sshll.u32 @!p1 s20, $0x12  }
0x28: {  	s16 =	sadd.s32 @!p1 s17, s16;
	s17 =	sor.u32 @!p1 $0x400, s18;
	s18 =	simm.s32 @!p1 $0x1800  }
0x29: {  	[tilespmem:s19], [sflag:$0x1] =	stream.strided.gather @!p1 [hbm4b:s16+s17], $0x4000, s18, s17, $0x38;
	[tilespmem:$0x10000] =	vst v63  }
0x2a: {  	p1 =	seq.s32 s7, $0x0  }
0x2b: {  	p2 =	seq.s32 @!p1 s7, $0x61  }
0x2c: {  	p1 =	por p1, p2  }
.Ltmp2:
0x2d: {  	_ = 	snop;
	(pc) =	sbr.rel @p1 .LBB1_7-.Ltmp2, $1  }
0x2e: {  	_ =	sdelay $0x3  }
0x2f: {  	s16 =	simm.s32 $0x1;
	_ =	swait.ge [sflag:s4], $0x4000  }
0x30: {  	s17 =	sshll.u32 s7, $0xE;
	s19 =	simm.s32 $0x0;
	s16 =	simm.s32 @!p0 $0x0  }
0x31: {  	p2 =	por $0x1, $0x1;
	[sflag:s4] =	ssyncset.done $0x0;
	s16 =	sshll.u32 s16, $0x10  }
0x32: {  	s17 =	sand.u32 $0x4000, s17;
	[sflag:s4] =	ssyncadd.s32 $0xFFFFC000;
	s18 =	sshrl.u32 s16, $0x2  }
0x33: {  	s16 =	sor.u32 $0x8000, s17;
	s17 =	sadd.s32 $0x8040, s18;
	s18 =	sadd.s32 $0x40, s18  }
.LBB1_3:
0x34: {  	s20 =	sshll.u32 s19, $0xD  }
0x35: {  	s20 =	sand.u32 $0x3FFFE000, s20  }
0x36: {  	s20 =	sadd.s32 s20, s18  }
0x37: {  	v0 =	vmov s20;
	_ =	sdelay $0x4  }
0x38: {  	v6 =	vld.idx.msk [tilespmem:v0+s22+$0x30 ss:$0x1], $0xffff  }
0x39: {  	v7 =	vld.idx.msk [tilespmem:v0+s22+$0xFFFFFFC0 ss:$0x1], $0xffff  }
0x3a: {  	v1 =	vld.idx.msk [tilespmem:v0+s22+$0xFFFFFFD0 ss:$0x1], $0xffff  }
0x3b: {  	s31 =	sshll.u32 s19, $0x7;
	v2 =	vld.idx.msk [tilespmem:v0+s22+$0xFFFFFFE0 ss:$0x1], $0xffff  }
0x3c: {  	s19 =	sand.u32 $0x3FFFFF80, s31;
	v3 =	vld.idx.msk [tilespmem:v0+s22+$0xFFFFFFF0 ss:$0x1], $0xffff  }
0x3d: {  	s19 =	sadd.s32 s19, s17;
	v4 =	vld.idx.msk [tilespmem:v0+s22+$0x0 ss:$0x1], $0xffff  }
0x3e: {  	v5 =	vld.idx.msk [tilespmem:v0+s22+$0x10 ss:$0x1], $0xffff;
	[tilespmem:s19+$0x30] =	vst v6  }
0x3f: {  	p1 =	por p2, p2;
	s21 =	simm.s32 $0x400;
	s20 =	simm.s32 $0x80;
	[tilespmem:s19+$0xFFFFFFC0] =	vst v7;
	v6 =	vld.idx.msk [tilespmem:v0+s22+$0x20 ss:$0x1], $0xffff  }
.LBB1_4:
0x40: {  	p2 =	sne.s32 s21, $0x7E00;
	v7 =	vld.idx.msk [tilespmem:v0+s20+$0x30 ss:$0x1], $0xffff;
	[tilespmem:s19+$0xFFFFFFD0] =	vst v1  }
0x41: {  	v8 =	vld.idx.msk [tilespmem:v0+s20+$0xFFFFFFC0 ss:$0x1], $0xffff;
	[tilespmem:s19+$0xFFFFFFE0] =	vst v2  }
0x42: {  	v1 =	vld.idx.msk [tilespmem:v0+s20+$0xFFFFFFD0 ss:$0x1], $0xffff;
	[tilespmem:s19+$0xFFFFFFF0] =	vst v3  }
.Ltmp3:
0x43: {  	v2 =	vld.idx.msk [tilespmem:v0+s20+$0xFFFFFFE0 ss:$0x1], $0xffff;
	[tilespmem:s19+$0x0] =	vst v4;
	(pc) =	sbr.rel @p2 .LBB1_4-.Ltmp3, $4  }
0x44: {  	v3 =	vld.idx.msk [tilespmem:v0+s20+$0xFFFFFFF0 ss:$0x1], $0xffff;
	[tilespmem:s19+$0x10] =	vst v5  }
0x45: {  	v4 =	vld.idx.msk [tilespmem:v0+s20+$0x0 ss:$0x1], $0xffff;
	[tilespmem:s19+$0x20] =	vst v6;
	s19 =	sadd.s32 $0x100, s19  }
0x46: {  	v5 =	vld.idx.msk [tilespmem:v0+s20+$0x10 ss:$0x1], $0xffff;
	[tilespmem:s19+$0x30] =	vst v7  }
0x47: {  	[tilespmem:s19+$0xFFFFFFC0] =	vst v8;
	v6 =	vld.idx.msk [tilespmem:v0+s20+$0x20 ss:$0x1], $0xffff;
	s20 =	sshra.s32 s21, $0x2;
	s21 =	sadd.s32 $0x200, s21  }
0x48: {  	_ =	sdelay $0x2  }
0x49: {  	[tilespmem:s19+$0xFFFFFFD0] =	vst v1  }
0x4a: {  	v56 =	vld.idx.msk [tilespmem:v0+s20+$0x30 ss:$0x1], $0xffff;
	[tilespmem:s19+$0xFFFFFFE0] =	vst v2  }
0x4b: {  	v57 =	vld.idx.msk [tilespmem:v0+s20+$0xFFFFFFC0 ss:$0x1], $0xffff;
	[tilespmem:s19+$0xFFFFFFF0] =	vst v3  }
0x4c: {  	v58 =	vld.idx.msk [tilespmem:v0+s20+$0xFFFFFFD0 ss:$0x1], $0xffff;
	[tilespmem:s19+$0x0] =	vst v4  }
0x4d: {  	v59 =	vld.idx.msk [tilespmem:v0+s20+$0xFFFFFFE0 ss:$0x1], $0xffff;
	[tilespmem:s19+$0x10] =	vst v5  }
0x4e: {  	v60 =	vld.idx.msk [tilespmem:v0+s20+$0xFFFFFFF0 ss:$0x1], $0xffff;
	s31 =	sadd.s32 $0x100, s19;
	[tilespmem:s19+$0x20] =	vst v6  }
0x4f: {  	v61 =	vld.idx.msk [tilespmem:v0+s20+$0x0 ss:$0x1], $0xffff;
	[tilespmem:s31+$0x30] =	vst v56  }
0x50: {  	v62 =	vld.idx.msk [tilespmem:v0+s20+$0x10 ss:$0x1], $0xffff;
	[tilespmem:s31+$0xFFFFFFC0] =	vst v57  }
0x51: {  	v63 =	vld.idx.msk [tilespmem:v0+s20+$0x20 ss:$0x1], $0xffff;
	[tilespmem:s31+$0xFFFFFFD0] =	vst v58  }
.Ltmp4:
0x52: {  	[tilespmem:s31+$0xFFFFFFE0] =	vst v59;
	(pc) =	sbr.rel @p1 .LBB1_3-.Ltmp4, $4  }
0x53: {  	[tilespmem:s31+$0xFFFFFFF0] =	vst v60  }
0x54: {  	[tilespmem:s31+$0x0] =	vst v61  }
0x55: {  	[tilespmem:s31+$0x10] =	vst v62  }
0x56: {  	p2 =	por $0x0, $0x0;
	s19 =	simm.s32 $0x1;
	[tilespmem:s31+$0x20] =	vst v63  }
0x57: {  	s17 =	sshrl.u32 s15, $0x3  }
0x58: {  	s18 =	sshll.u32 s13, $0x3;
	s17 =	smul.u32 $0x1800, s17  }
0x59: {  	s27 =	sshll.u32 s15, $0x7;
	s18 =	sand.u32 $0xFFFFFC00, s18  }
0x5a: {  	s15 =	sand.u32 $0x380, s27;
	s17 =	sadd.s32 s17, s18  }
0x5b: {  	s28 =	sand.u32 $0x7F, s13;
	s15 =	sor.u32 s15, s17  }
0x5c: {  	s13 =	sor.u32 s28, s15;
	s15 =	smulhi.u32 $0xAAAAAAAB, s15  }
0x5d: {  	s29 =	smulhi.u32 $0xAAAAAAAB, s13  }
0x5e: {  	s14 =	smul.u32 $0xC000, s14  }
0x5f: {  	s12 =	smul.u32 $0x300, s12;
	s15 =	sshrl.u32 s15, $0x9;
	s17 =	sshrl.u32 s29, $0x9  }
0x60: {  	s15 =	sand.u32 $0x7, s15;
	s17 =	smul.u32 $0x300, s17  }
0x61: {  	s15 =	smul.u32 $0x60, s15  }
.Ltmp5:
0x62: {  	s14 =	sadd.s32 s3, s14;
	s13 =	ssub.s32 s13, s17;
	(pc) =	sbr.rel .LBB1_7-.Ltmp5, $4  }
0x63: {  	s12 =	sadd.s32 s12, s14;
	s30 =	sand.u32 $0x7, s13  }
0x64: {  	s12 =	sadd.s32 s15, s12;
	s13 =	sshrl.u32 s13, $0x3;
	s14 =	sshll.u32 s30, $0x12  }
0x65: {  	s12 =	sadd.s32 s13, s12;
	s31 =	sor.u32 $0x100, s14  }
0x66: {  	[hbm4b:s12+s31] =	stream.strided.scatter [tilespmem:s16], [sflag:$0x2], $0x4000, s6, s31, $0x38;
	[tilespmem:$0x10000] =	vst v63  }
.LBB1_8:
0x67: {  	_ =	sfence.sel $0x180000  }
0x68: {  	s2 =	simm.s32 $0x1;
	[bflag:$0x0] =	sbarrier.arrive $0xFFFF  }
0x69: {  	s31 =	simm.s32 $0x2;
	[sflag:s2] =	ssyncpa.u1 $0x1  }
0x6a: {  	[sflag:s31] =	ssyncpa.u1 $0x1  }
0x6b: {  	p0 =	sne.s32 s1, $0x0;
	_ =	strace $0x90000047  }
0x6c: {  	s0 =	sadd.s32 @!p0 $0x100000, s0;
	[bflag:$0x2] =	sbarrier.arrive $0xFFFF  }
0x6d: {  	[sflag:s0] =	ssyncadd.tile.s32 @!p0 $0x1;
	_ =	shalt  }
.Lfunc_end1:
_tile_overlayer_lowered:
.L_overlay_start_2:
0x6e: {  	(tag) =	ssettag $0x2  }
0x6f: {  	s0 =	rddreg [dreg:$0x0];
	s2 =	stileid.u32  }
0x70: {  	s1 =	rddreg [dreg:$0x1];
	p0 =	sne.s32 s2, $0x0  }
0x71: {  	s3 =	rddreg [dreg:$0x2];
	[bflag:$0x3] =	sbarrier.arrive $0xFFFF;
	s2 =	simm.s32 @!p0 $0x1C01  }
0x72: {  	[timem:s3], [sflag:s2] =	dma.local @!p0 [hbm:s0], s1  }
0x73: {  	s0 =	simm.s32 @!p0 $0x1  }
0x74: {  	_ =	swait.ge @!p0 [sflag:s0], s1  }
0x75: {  	s1 =	ssub.s32 @!p0 $0x0, s1;
	[sflag:s0] =	ssyncset.done @!p0 $0x0  }
0x76: {  	[sflag:s0] =	ssyncadd.s32 @!p0 s1  }
0x77: {  	[bflag:$0x3] =	sbarrier.arrive $0xFFFF  }
0x78: {  	_ =	shalt  }

</sc_bundles>
